<compile_context>
chip_gen: v7x
topology: tpu7x:2x2x1
jax: 0.10.2.dev20260603
libtpu: 0.0.44.dev20260713+nightly
codegen_flags: <defaults>
</compile_context>

<pallas_src>
import functools

import jax
import jax.numpy as jnp
from jax import lax
from jax.experimental import pallas as pl
from jax.experimental.pallas import tpu as pltpu
from jax.experimental.pallas import tpu_sc as plsc

N = 10000
E = 320000
DF = 128
C1 = 64
C2 = 128
NCLS = 10
NG = 32

NC = 2
NS = 16
L = 16
NW = NC * NS

CH = 128
CPW = 80
EPW = CH * CPW
E_PAD = EPW * NW
NPAD = 10240
RPT = NPAD // NS
TPAD = 10048

_MESH = plsc.VectorSubcoreMesh(core_axis_name="c", subcore_axis_name="s")



@functools.partial(
    pl.kernel,
    out_type=jax.ShapeDtypeStruct((NC, NPAD), jnp.float32),
    mesh=_MESH,
    scratch_types=[
        pltpu.VMEM((CPW, CH), jnp.int32),
        pltpu.VMEM((CH,), jnp.float32),
        pltpu.VMEM((RPT,), jnp.float32),
        pltpu.VMEM_SHARED((NPAD,), jnp.float32),
    ],
)
def _sc_degree(dst_hbm, out_hbm, idx_v, ones_v, z_v, acc):
    cid = lax.axis_index("c")
    sid = lax.axis_index("s")
    wid = sid * NC + cid
    pltpu.sync_copy(dst_hbm.at[pl.ds(wid * CPW, CPW)], idx_v)
    for i in range(CH // L):
        ones_v[pl.ds(i * L, L)] = jnp.ones((L,), jnp.float32)

    def zfill(i, c):
        z_v[pl.ds(i * L, L)] = jnp.zeros((L,), jnp.float32)
        return c

    lax.fori_loop(0, RPT // L, zfill, 0)
    pltpu.sync_copy(z_v, acc.at[pl.ds(sid * RPT, RPT)])
    plsc.subcore_barrier()

    def body(j, c):
        pltpu.sync_copy(ones_v, acc.at[idx_v.at[j]], add=True)
        return c

    lax.fori_loop(0, CPW, body, 0)
    plsc.subcore_barrier()
    pltpu.sync_copy(acc.at[pl.ds(sid * RPT, RPT)],
                    out_hbm.at[cid, pl.ds(sid * RPT, RPT)])


D = 128
HCPW = CPW // 2


@functools.partial(
    pl.kernel,
    out_type=jax.ShapeDtypeStruct((NC, NPAD, D), jnp.float32),
    mesh=_MESH,
    scratch_types=[
        pltpu.VMEM((HCPW, CH), jnp.int32),
        pltpu.VMEM((HCPW, CH), jnp.int32),
        pltpu.VMEM((CH, D), jnp.float32),
        pltpu.VMEM((CH, D), jnp.float32),
        pltpu.VMEM_SHARED((NPAD, D), jnp.float32),
        pltpu.SemaphoreType.DMA,
        pltpu.SemaphoreType.DMA,
    ],
)
def _sc_agg(table_hbm, src_hbm, dst_hbm, out_hbm, src_v, dst_v,
            rows_a, rows_b, acc, sem_a, sem_b):
    cid = lax.axis_index("c")
    sid = lax.axis_index("s")
    wid = sid * NC + cid

    def zfill(i, c):
        r = i // (D // L)
        k = i % (D // L)
        rows_a[r, pl.ds(k * L, L)] = jnp.zeros((L,), jnp.float32)
        return c

    with jax.named_scope("agg_zero"):
        lax.fori_loop(0, CH * (D // L), zfill, 0)
        for b in range(RPT // CH):
            pltpu.sync_copy(rows_a, acc.at[pl.ds(sid * RPT + b * CH, CH)])
        plsc.subcore_barrier()

    for h in range(CPW // HCPW):
        with jax.named_scope("agg_idx"):
            base = wid * CPW + h * HCPW
            pltpu.sync_copy(src_hbm.at[pl.ds(base, HCPW)], src_v)
            pltpu.sync_copy(dst_hbm.at[pl.ds(base, HCPW)], dst_v)
        pltpu.async_copy(table_hbm.at[src_v.at[0]], rows_a, sem_a)
        pltpu.async_copy(table_hbm.at[src_v.at[1]], rows_b, sem_b)

        def body(i, c):
            ja = 2 * i
            jb = ja + 1
            pltpu.make_async_copy(table_hbm, rows_a, sem_a).wait()
            pltpu.sync_copy(rows_a, acc.at[dst_v.at[ja]], add=True)

            @pl.when(ja + 2 < HCPW)
            def _():
                pltpu.async_copy(table_hbm.at[src_v.at[ja + 2]], rows_a, sem_a)

            pltpu.make_async_copy(table_hbm, rows_b, sem_b).wait()
            pltpu.sync_copy(rows_b, acc.at[dst_v.at[jb]], add=True)

            @pl.when(jb + 2 < HCPW)
            def _():
                pltpu.async_copy(table_hbm.at[src_v.at[jb + 2]], rows_b, sem_b)

            return c

        with jax.named_scope("agg_loop"):
            lax.fori_loop(0, HCPW // 2, body, 0)

    with jax.named_scope("agg_dump"):
        plsc.subcore_barrier()
        pltpu.sync_copy(acc.at[pl.ds(sid * RPT, RPT)],
                        out_hbm.at[cid, pl.ds(sid * RPT, RPT)])


@functools.partial(
    pl.kernel,
    out_type=jax.ShapeDtypeStruct((NC, NPAD, C1), jnp.float32),
    mesh=_MESH,
    compiler_params=pltpu.CompilerParams(use_tc_tiling_on_sc=False),
    scratch_types=[
        pltpu.VMEM((CPW, CH), jnp.int32),
        pltpu.VMEM((CPW, CH), jnp.int32),
        pltpu.VMEM((CH, C1), jnp.float32),
        pltpu.VMEM((CH, C1), jnp.float32),
        pltpu.VMEM_SHARED((NPAD, C1), jnp.float32),
        pltpu.SemaphoreType.DMA,
        pltpu.SemaphoreType.DMA,
    ],
)
def _sc_agg64(table_hbm, src_hbm, dst_hbm, out_hbm, src_v, dst_v,
              rows_a, rows_b, acc, sem_a, sem_b):
    cid = lax.axis_index("c")
    sid = lax.axis_index("s")
    wid = sid * NC + cid
    pltpu.sync_copy(src_hbm.at[pl.ds(wid * CPW, CPW)], src_v)
    pltpu.sync_copy(dst_hbm.at[pl.ds(wid * CPW, CPW)], dst_v)

    def zfill(i, c):
        r = i // (C1 // L)
        k = i % (C1 // L)
        rows_a[r, pl.ds(k * L, L)] = jnp.zeros((L,), jnp.float32)
        return c

    lax.fori_loop(0, CH * (C1 // L), zfill, 0)
    for b in range(RPT // CH):
        pltpu.sync_copy(rows_a, acc.at[pl.ds(sid * RPT + b * CH, CH)])
    plsc.subcore_barrier()

    pltpu.async_copy(table_hbm.at[src_v.at[0]], rows_a, sem_a)
    pltpu.async_copy(table_hbm.at[src_v.at[1]], rows_b, sem_b)

    def body(i, c):
        ja = 2 * i
        jb = ja + 1
        pltpu.make_async_copy(table_hbm, rows_a, sem_a).wait()
        pltpu.sync_copy(rows_a, acc.at[dst_v.at[ja]], add=True)

        @pl.when(ja + 2 < CPW)
        def _():
            pltpu.async_copy(table_hbm.at[src_v.at[ja + 2]], rows_a, sem_a)

        pltpu.make_async_copy(table_hbm, rows_b, sem_b).wait()
        pltpu.sync_copy(rows_b, acc.at[dst_v.at[jb]], add=True)

        @pl.when(jb + 2 < CPW)
        def _():
            pltpu.async_copy(table_hbm.at[src_v.at[jb + 2]], rows_b, sem_b)

        return c

    lax.fori_loop(0, CPW // 2, body, 0)
    plsc.subcore_barrier()
    pltpu.sync_copy(acc.at[pl.ds(sid * RPT, RPT)],
                    out_hbm.at[cid, pl.ds(sid * RPT, RPT)])



def _tc_prescale_body(x_ref, w_ref, degp_ref, hs_ref, dinv_ref):
    deg = degp_ref[0, 0:N, :] + degp_ref[1, 0:N, :] + 1.0
    dinv = lax.rsqrt(deg)
    dinv_ref[...] = dinv
    h = jnp.dot(x_ref[...], w_ref[...], preferred_element_type=jnp.float32)
    hs_ref[0:N, :] = h * dinv
    hs_ref[N:TPAD, :] = jnp.zeros((TPAD - N, C1), jnp.float32)


def _tc_layer2_body(agg_ref, hs_ref, dinv_ref, b1_ref, w2_ref,
                    h2s_ref):
    dinv = dinv_ref[...]
    a0 = agg_ref[0, 0:N, :]
    a1 = agg_ref[1, 0:N, :]
    pre = dinv * (a0 + a1 + hs_ref[0:N, :]) + b1_ref[...]
    h1 = jnp.maximum(pre, 0.0)
    h2 = jnp.dot(h1, w2_ref[...], preferred_element_type=jnp.float32)
    h2s_ref[0:N, :] = h2 * dinv
    h2s_ref[N:TPAD, :] = jnp.zeros((TPAD - N, C2), jnp.float32)


def _tc_head_body(agg_ref, hs_ref, dinv_ref, b2_ref, batch_ref,
                  fcw_ref, fcb_ref, out_ref):
    dinv = dinv_ref[...]
    a0 = agg_ref[0, 0:N, :]
    a1 = agg_ref[1, 0:N, :]
    pre = dinv * (a0 + a1 + hs_ref[0:N, :]) + b2_ref[...]
    h2 = jnp.maximum(pre, 0.0)
    gid = lax.broadcasted_iota(jnp.int32, (N, NG), 1)
    p = (batch_ref[...] == gid).astype(jnp.float32)
    sums = lax.dot_general(p, h2, (((0,), (0,)), ((), ())),
                           preferred_element_type=jnp.float32)
    ones = jnp.ones((N, 1), jnp.float32)
    cnt = lax.dot_general(p, ones, (((0,), (0,)), ((), ())),
                          preferred_element_type=jnp.float32)
    g = sums / jnp.maximum(cnt, 1.0)
    logits = jnp.dot(g, fcw_ref[...], preferred_element_type=jnp.float32)
    logits = logits + fcb_ref[...]
    m = jnp.max(logits, axis=1, keepdims=True)
    ex = jnp.exp(logits - m)
    lse = jnp.log(jnp.sum(ex, axis=1, keepdims=True))
    out_ref[...] = logits - m - lse


_tc_prescale = pl.pallas_call(
    _tc_prescale_body,
    out_shape=(jax.ShapeDtypeStruct((TPAD, C1), jnp.float32),
               jax.ShapeDtypeStruct((N, 1), jnp.float32)))

_tc_layer2 = pl.pallas_call(
    _tc_layer2_body,
    out_shape=jax.ShapeDtypeStruct((TPAD, C2), jnp.float32))

_tc_head = pl.pallas_call(
    _tc_head_body,
    out_shape=jax.ShapeDtypeStruct((NG, NCLS), jnp.float32))



def kernel(x, edge_index, batch, W1, b1, W2, b2, fc_W, fc_b):
    src = edge_index[0].astype(jnp.int32)
    dst = edge_index[1].astype(jnp.int32)
    it = jnp.arange(E_PAD - E, dtype=jnp.int32)
    pad_src = it % N
    pad_dst = N + it % (NPAD - N)
    src2d = jnp.concatenate([src, pad_src]).reshape(NW * CPW, CH)
    dst2d = jnp.concatenate([dst, pad_dst]).reshape(NW * CPW, CH)
    batch2d = batch.astype(jnp.int32).reshape(N, 1)

    degp = _sc_degree(dst2d).reshape(NC, NPAD, 1)

    h1s, dinv = _tc_prescale(x, W1, degp)

    agg1 = _sc_agg64(h1s, src2d, dst2d)
    h2s = _tc_layer2(agg1, h1s, dinv, b1.reshape(1, C1), W2)

    agg2 = _sc_agg(h2s, src2d, dst2d)
    out = _tc_head(agg2, h2s, dinv,
                   b2.reshape(1, C2), batch2d,
                   fc_W, fc_b.reshape(1, NCLS))
    return out

# --- scband reference (transcript-rebuilt; emitter-appended) ---
"""Pipeline reference for scband-gcngraph-classifier-30777735643796 (READ-ONLY COPY).

The authoritative reference and input builder live on the scoring server;
editing this copy changes nothing except your own understanding.
"""

import jax, jax.numpy as jnp
import numpy as np

N_NODES = 10000
N_EDGES = 320000
D_FEAT = 128
C1 = 64
C2 = 128
N_CLASSES = 10
N_GRAPHS = 32


def glorot(key, shape):
    lim = (6.0 / (shape[0] + shape[1])) ** 0.5
    return jax.random.uniform(key, shape, jnp.float32, -lim, lim)


def setup_inputs(seed: int = 0) -> dict:
    key = jax.random.key(seed)
    ks = jax.random.split(key, 10)
    x = jax.random.normal(ks[0], (N_NODES, D_FEAT), jnp.float32)
    edge_index = jax.random.randint(ks[1], (2, N_EDGES), 0, N_NODES, jnp.int64)
    batch = jnp.sort(jax.random.randint(ks[2], (N_NODES,), 0, N_GRAPHS, jnp.int64))
    W1 = glorot(ks[3], (D_FEAT, C1))
    b1 = jnp.zeros((C1,), jnp.float32)
    W2 = glorot(ks[4], (C1, C2))
    b2 = jnp.zeros((C2,), jnp.float32)
    fc_W = glorot(ks[5], (C2, N_CLASSES))
    fc_b = jnp.zeros((N_CLASSES,), jnp.float32)
    return {"x": x, "edge_index": edge_index, "batch": batch, "W1": W1, "b1": b1, "W2": W2, "b2": b2, "fc_W": fc_W, "fc_b": fc_b}


def gcn_conv(x, src, dst, W, b, num_nodes):
    # add self loops (PyG GCNConv default: add_self_loops=True, symmetric norm)
    loop = jnp.arange(num_nodes, dtype=src.dtype)
    s = jnp.concatenate([src, loop])
    d = jnp.concatenate([dst, loop])
    ones = jnp.ones(s.shape[0], jnp.float32)
    deg = jax.ops.segment_sum(ones, d, num_segments=num_nodes)
    dinv = jnp.where(deg > 0, deg ** -0.5, 0.0)
    norm = dinv[s] * dinv[d]
    h = x @ W
    msg = h[s] * norm[:, None]
    out = jax.ops.segment_sum(msg, d, num_segments=num_nodes)
    return out + b


def global_mean_pool(x, batch, num_graphs):
    sums = jax.ops.segment_sum(x, batch, num_segments=num_graphs)
    cnt = jax.ops.segment_sum(jnp.ones(x.shape[0], jnp.float32), batch, num_segments=num_graphs)
    return sums / jnp.clip(cnt, 1.0, None)[:, None]


def reference(x, edge_index, batch, W1, b1, W2, b2, fc_W, fc_b):
    num_nodes = x.shape[0]
    src, dst = edge_index[0], edge_index[1]
    h = jax.nn.relu(gcn_conv(x, src, dst, W1, b1, num_nodes))
    # dropout is identity in eval mode (training=False)
    h = jax.nn.relu(gcn_conv(h, src, dst, W2, b2, num_nodes))
    g = global_mean_pool(h, batch, N_GRAPHS)
    logits = g @ fc_W + fc_b
    return jax.nn.log_softmax(logits, axis=1)

if __name__ == "__main__":
    import jax
    _d = setup_inputs()
    print(jax.jit(kernel)(*tuple(_d.values())))

</pallas_src>

<mosaic_0001>
#map = affine_map<(d0, d1) -> (0, 0)>
#map1 = affine_map<(d0, d1) -> (0, 0, 0)>
module attributes {stable_mosaic.version = 14 : i64} {
  func.func @_sc_agg(%arg0: i32, %arg1: i32, %arg2: memref<10048x128xf32, #tpu.memory_space<hbm>>, %arg3: memref<2560x128xi32, #tpu.memory_space<hbm>>, %arg4: memref<2560x128xi32, #tpu.memory_space<hbm>>, %arg5: memref<2x10240x128xf32, #tpu.memory_space<hbm>>, %arg6: memref<40x128xi32, #tpu.memory_space<vmem>>, %arg7: memref<40x128xi32, #tpu.memory_space<vmem>>, %arg8: memref<128x128xf32, #tpu.memory_space<vmem>>, %arg9: memref<128x128xf32, #tpu.memory_space<vmem>>, %arg10: memref<10240x128xf32, #tpu.memory_space<vmem_shared>>, %arg11: memref<!tpu.dma_semaphore, #tpu.memory_space<semaphore_mem>>, %arg12: memref<!tpu.dma_semaphore, #tpu.memory_space<semaphore_mem>>) attributes {dimension_semantics = [#tpu.dimension_semantics<core_parallel>, #tpu.dimension_semantics<subcore_parallel>], iteration_bounds = array<i64: 2, 16>, scalar_prefetch = 0 : i64, scratch_operands = 7 : i64, tpu.core_type = #tpu.core_type<sc_vector_subcore>, window_params = [{transform_indices = #map}, {transform_indices = #map}, {transform_indices = #map}, {transform_indices = #map1}]} {
    %mul3A = arith.constant 2 : i32
    %mul3A_0 = arith.muli %arg1, %mul3A : i32
    %add3A = arith.addi %mul3A_0, %arg0 : i32
    "tpu.trace_start"() <{level = 10 : i32, message = "agg_zero"}> : () -> ()
    %scan3A = arith.constant 0 : i32
    %scan3A_1 = arith.constant 0 : i32
    %scan3A_2 = arith.constant 1024 : i32
    %scan3A_3 = arith.addi %scan3A_1, %scan3A_2 : i32
    %scan3A_4 = arith.constant 1 : i32
    scf.for %scan3A_78 = %scan3A_1 to %scan3A_3 step %scan3A_4  : i32 {
      %jit3A = arith.constant 8 : i32
      %div3A = arith.divsi %scan3A_78, %jit3A : i32
      %sign3A = arith.constant 0 : i32
      %sign3A_79 = arith.cmpi sgt, %scan3A_78, %sign3A : i32
      %sign3A_80 = arith.extui %sign3A_79 : i1 to i32
      %sign3A_81 = arith.constant 0 : i32
      %sign3A_82 = arith.cmpi slt, %scan3A_78, %sign3A_81 : i32
      %sign3A_83 = arith.extui %sign3A_82 : i1 to i32
      %sign3A_84 = arith.subi %sign3A_80, %sign3A_83 : i32
      %sign3A_85 = arith.constant 0 : i32
      %sign3A_86 = arith.cmpi sgt, %jit3A, %sign3A_85 : i32
      %sign3A_87 = arith.extui %sign3A_86 : i1 to i32
      %sign3A_88 = arith.constant 0 : i32
      %sign3A_89 = arith.cmpi slt, %jit3A, %sign3A_88 : i32
      %sign3A_90 = arith.extui %sign3A_89 : i1 to i32
      %sign3A_91 = arith.subi %sign3A_87, %sign3A_90 : i32
      %ne3A = arith.cmpi ne, %sign3A_84, %sign3A_91 : i32
      %rem3A = arith.remsi %scan3A_78, %jit3A : i32
      %ne3A_92 = arith.constant 0 : i32
      %ne3A_93 = arith.cmpi ne, %rem3A, %ne3A_92 : i32
      %and3A = arith.andi %ne3A, %ne3A_93 : i1
      %sub3A = arith.constant 1 : i32
      %sub3A_94 = arith.subi %div3A, %sub3A : i32
      %select_n3A = arith.select %and3A, %sub3A_94, %div3A : i32
      %jit3A_95 = arith.constant 8 : i32
      %eq3A = arith.constant 0 : i32
      %eq3A_96 = arith.cmpi eq, %jit3A_95, %eq3A : i32
      %jit3A_97 = arith.constant 1 : i32
      %select_n3A_98 = arith.select %eq3A_96, %jit3A_97, %jit3A_95 : i32
      %rem3A_99 = arith.remsi %scan3A_78, %select_n3A_98 : i32
      %ne3A_100 = arith.constant 0 : i32
      %ne3A_101 = arith.cmpi ne, %rem3A_99, %ne3A_100 : i32
      %lt3A = arith.constant 0 : i32
      %lt3A_102 = arith.cmpi slt, %rem3A_99, %lt3A : i32
      %lt3A_103 = arith.constant 0 : i32
      %lt3A_104 = arith.cmpi slt, %select_n3A_98, %lt3A_103 : i32
      %ne3A_105 = arith.xori %lt3A_102, %lt3A_104 : i1
      %and3A_106 = arith.andi %ne3A_105, %ne3A_101 : i1
      %add3A_107 = arith.addi %rem3A_99, %select_n3A_98 : i32
      %select_n3A_108 = arith.select %and3A_106, %add3A_107, %rem3A_99 : i32
      %broadcast_in_dim3A = arith.constant 0.000000e+00 : f32
      %broadcast_in_dim3A_109 = vector.broadcast %broadcast_in_dim3A : f32 to vector<16xf32>
      %mul3A_110 = arith.constant 16 : i32
      %mul3A_111 = arith.muli %select_n3A_108, %mul3A_110 : i32
      %swap3A = arith.index_cast %select_n3A : i32 to index
      %swap3A_112 = arith.index_cast %mul3A_111 : i32 to index
      %swap3A_113 = tpu.vector_load %arg8[%swap3A, %swap3A_112] {strides = array<i32>} : memref<128x128xf32, #tpu.memory_space<vmem>>, vector<1x16xf32>,
      %swap3A_114 = vector.shape_cast %swap3A_113 : vector<1x16xf32> to vector<16xf32>
      %swap3A_115 = vector.shape_cast %broadcast_in_dim3A_109 : vector<16xf32> to vector<1x16xf32>
      tpu.vector_store %arg8[%swap3A, %swap3A_112], %swap3A_115 {strides = array<i32>} : memref<128x128xf32, #tpu.memory_space<vmem>>, vector<1x16xf32>,
    }
    %scan3A_5 = arith.constant 1024 : i32
    %mul3A_6 = arith.constant 640 : i32
    %mul3A_7 = arith.muli %arg1, %mul3A_6 : i32
    %add3A_8 = arith.constant 0 : i32
    %add3A_9 = arith.addi %mul3A_7, %add3A_8 : i32
    "tpu.region"() ({
      %run_scoped3A = tpu.sem_alloc : memref<!tpu.dma_semaphore, #tpu.memory_space<semaphore_mem>>
      %dma_start3A_78 = arith.constant 0 : i32
      %dma_start3A_79 = tpu.memref_slice %arg10[%add3A_9, %dma_start3A_78] : memref<10240x128xf32, #tpu.memory_space<vmem_shared>> -> memref<128x128xf32, #tpu.memory_space<vmem_shared>>
      %dma_start3A_80 = arith.constant 0 : i32
      %dma_start3A_81 = tpu.memref_slice %arg10[%add3A_9, %dma_start3A_80] : memref<10240x128xf32, #tpu.memory_space<vmem_shared>> -> memref<128x128xf32, #tpu.memory_space<vmem_shared>>
      tpu.enqueue_dma source(%arg8 : memref<128x128xf32, #tpu.memory_space<vmem>>) target(%dma_start3A_81 : memref<128x128xf32, #tpu.memory_space<vmem_shared>>) target_semaphore(%run_scoped3A : memref<!tpu.dma_semaphore, #tpu.memory_space<semaphore_mem>>)
      %dma_wait3A = arith.constant 0 : i32
      %dma_wait3A_82 = tpu.memref_slice %arg10[%add3A_9, %dma_wait3A] : memref<10240x128xf32, #tpu.memory_space<vmem_shared>> -> memref<128x128xf32, #tpu.memory_space<vmem_shared>>
      %dma_wait3A_83 = arith.constant 0 : i32
      %dma_wait3A_84 = tpu.memref_slice %arg10[%add3A_9, %dma_wait3A_83] : memref<10240x128xf32, #tpu.memory_space<vmem_shared>> -> memref<128x128xf32, #tpu.memory_space<vmem_shared>>
      tpu.wait_dma2 semaphore(%run_scoped3A : memref<!tpu.dma_semaphore, #tpu.memory_space<semaphore_mem>>) src(%arg8 : memref<128x128xf32, #tpu.memory_space<vmem>>) dst(%dma_wait3A_84 : memref<128x128xf32, #tpu.memory_space<vmem_shared>>)
      tpu.yield
    }) : () -> ()
    %mul3A_10 = arith.constant 640 : i32
    %mul3A_11 = arith.muli %arg1, %mul3A_10 : i32
    %add3A_12 = arith.constant 128 : i32
    %add3A_13 = arith.addi %mul3A_11, %add3A_12 : i32
    "tpu.region"() ({
      %run_scoped3A = tpu.sem_alloc : memref<!tpu.dma_semaphore, #tpu.memory_space<semaphore_mem>>
      %dma_start3A_78 = arith.constant 0 : i32
      %dma_start3A_79 = tpu.memref_slice %arg10[%add3A_13, %dma_start3A_78] : memref<10240x128xf32, #tpu.memory_space<vmem_shared>> -> memref<128x128xf32, #tpu.memory_space<vmem_shared>>
      %dma_start3A_80 = arith.constant 0 : i32
      %dma_start3A_81 = tpu.memref_slice %arg10[%add3A_13, %dma_start3A_80] : memref<10240x128xf32, #tpu.memory_space<vmem_shared>> -> memref<128x128xf32, #tpu.memory_space<vmem_shared>>
      tpu.enqueue_dma source(%arg8 : memref<128x128xf32, #tpu.memory_space<vmem>>) target(%dma_start3A_81 : memref<128x128xf32, #tpu.memory_space<vmem_shared>>) target_semaphore(%run_scoped3A : memref<!tpu.dma_semaphore, #tpu.memory_space<semaphore_mem>>)
      %dma_wait3A = arith.constant 0 : i32
      %dma_wait3A_82 = tpu.memref_slice %arg10[%add3A_13, %dma_wait3A] : memref<10240x128xf32, #tpu.memory_space<vmem_shared>> -> memref<128x128xf32, #tpu.memory_space<vmem_shared>>
      %dma_wait3A_83 = arith.constant 0 : i32
      %dma_wait3A_84 = tpu.memref_slice %arg10[%add3A_13, %dma_wait3A_83] : memref<10240x128xf32, #tpu.memory_space<vmem_shared>> -> memref<128x128xf32, #tpu.memory_space<vmem_shared>>
      tpu.wait_dma2 semaphore(%run_scoped3A : memref<!tpu.dma_semaphore, #tpu.memory_space<semaphore_mem>>) src(%arg8 : memref<128x128xf32, #tpu.memory_space<vmem>>) dst(%dma_wait3A_84 : memref<128x128xf32, #tpu.memory_space<vmem_shared>>)
      tpu.yield
    }) : () -> ()
    %mul3A_14 = arith.constant 640 : i32
    %mul3A_15 = arith.muli %arg1, %mul3A_14 : i32
    %add3A_16 = arith.constant 256 : i32
    %add3A_17 = arith.addi %mul3A_15, %add3A_16 : i32
    "tpu.region"() ({
      %run_scoped3A = tpu.sem_alloc : memref<!tpu.dma_semaphore, #tpu.memory_space<semaphore_mem>>
      %dma_start3A_78 = arith.constant 0 : i32
      %dma_start3A_79 = tpu.memref_slice %arg10[%add3A_17, %dma_start3A_78] : memref<10240x128xf32, #tpu.memory_space<vmem_shared>> -> memref<128x128xf32, #tpu.memory_space<vmem_shared>>
      %dma_start3A_80 = arith.constant 0 : i32
      %dma_start3A_81 = tpu.memref_slice %arg10[%add3A_17, %dma_start3A_80] : memref<10240x128xf32, #tpu.memory_space<vmem_shared>> -> memref<128x128xf32, #tpu.memory_space<vmem_shared>>
      tpu.enqueue_dma source(%arg8 : memref<128x128xf32, #tpu.memory_space<vmem>>) target(%dma_start3A_81 : memref<128x128xf32, #tpu.memory_space<vmem_shared>>) target_semaphore(%run_scoped3A : memref<!tpu.dma_semaphore, #tpu.memory_space<semaphore_mem>>)
      %dma_wait3A = arith.constant 0 : i32
      %dma_wait3A_82 = tpu.memref_slice %arg10[%add3A_17, %dma_wait3A] : memref<10240x128xf32, #tpu.memory_space<vmem_shared>> -> memref<128x128xf32, #tpu.memory_space<vmem_shared>>
      %dma_wait3A_83 = arith.constant 0 : i32
      %dma_wait3A_84 = tpu.memref_slice %arg10[%add3A_17, %dma_wait3A_83] : memref<10240x128xf32, #tpu.memory_space<vmem_shared>> -> memref<128x128xf32, #tpu.memory_space<vmem_shared>>
      tpu.wait_dma2 semaphore(%run_scoped3A : memref<!tpu.dma_semaphore, #tpu.memory_space<semaphore_mem>>) src(%arg8 : memref<128x128xf32, #tpu.memory_space<vmem>>) dst(%dma_wait3A_84 : memref<128x128xf32, #tpu.memory_space<vmem_shared>>)
      tpu.yield
    }) : () -> ()
    %mul3A_18 = arith.constant 640 : i32
    %mul3A_19 = arith.muli %arg1, %mul3A_18 : i32
    %add3A_20 = arith.constant 384 : i32
    %add3A_21 = arith.addi %mul3A_19, %add3A_20 : i32
    "tpu.region"() ({
      %run_scoped3A = tpu.sem_alloc : memref<!tpu.dma_semaphore, #tpu.memory_space<semaphore_mem>>
      %dma_start3A_78 = arith.constant 0 : i32
      %dma_start3A_79 = tpu.memref_slice %arg10[%add3A_21, %dma_start3A_78] : memref<10240x128xf32, #tpu.memory_space<vmem_shared>> -> memref<128x128xf32, #tpu.memory_space<vmem_shared>>
      %dma_start3A_80 = arith.constant 0 : i32
      %dma_start3A_81 = tpu.memref_slice %arg10[%add3A_21, %dma_start3A_80] : memref<10240x128xf32, #tpu.memory_space<vmem_shared>> -> memref<128x128xf32, #tpu.memory_space<vmem_shared>>
      tpu.enqueue_dma source(%arg8 : memref<128x128xf32, #tpu.memory_space<vmem>>) target(%dma_start3A_81 : memref<128x128xf32, #tpu.memory_space<vmem_shared>>) target_semaphore(%run_scoped3A : memref<!tpu.dma_semaphore, #tpu.memory_space<semaphore_mem>>)
      %dma_wait3A = arith.constant 0 : i32
      %dma_wait3A_82 = tpu.memref_slice %arg10[%add3A_21, %dma_wait3A] : memref<10240x128xf32, #tpu.memory_space<vmem_shared>> -> memref<128x128xf32, #tpu.memory_space<vmem_shared>>
      %dma_wait3A_83 = arith.constant 0 : i32
      %dma_wait3A_84 = tpu.memref_slice %arg10[%add3A_21, %dma_wait3A_83] : memref<10240x128xf32, #tpu.memory_space<vmem_shared>> -> memref<128x128xf32, #tpu.memory_space<vmem_shared>>
      tpu.wait_dma2 semaphore(%run_scoped3A : memref<!tpu.dma_semaphore, #tpu.memory_space<semaphore_mem>>) src(%arg8 : memref<128x128xf32, #tpu.memory_space<vmem>>) dst(%dma_wait3A_84 : memref<128x128xf32, #tpu.memory_space<vmem_shared>>)
      tpu.yield
    }) : () -> ()
    %mul3A_22 = arith.constant 640 : i32
    %mul3A_23 = arith.muli %arg1, %mul3A_22 : i32
    %add3A_24 = arith.constant 512 : i32
    %add3A_25 = arith.addi %mul3A_23, %add3A_24 : i32
    "tpu.region"() ({
      %run_scoped3A = tpu.sem_alloc : memref<!tpu.dma_semaphore, #tpu.memory_space<semaphore_mem>>
      %dma_start3A_78 = arith.constant 0 : i32
      %dma_start3A_79 = tpu.memref_slice %arg10[%add3A_25, %dma_start3A_78] : memref<10240x128xf32, #tpu.memory_space<vmem_shared>> -> memref<128x128xf32, #tpu.memory_space<vmem_shared>>
      %dma_start3A_80 = arith.constant 0 : i32
      %dma_start3A_81 = tpu.memref_slice %arg10[%add3A_25, %dma_start3A_80] : memref<10240x128xf32, #tpu.memory_space<vmem_shared>> -> memref<128x128xf32, #tpu.memory_space<vmem_shared>>
      tpu.enqueue_dma source(%arg8 : memref<128x128xf32, #tpu.memory_space<vmem>>) target(%dma_start3A_81 : memref<128x128xf32, #tpu.memory_space<vmem_shared>>) target_semaphore(%run_scoped3A : memref<!tpu.dma_semaphore, #tpu.memory_space<semaphore_mem>>)
      %dma_wait3A = arith.constant 0 : i32
      %dma_wait3A_82 = tpu.memref_slice %arg10[%add3A_25, %dma_wait3A] : memref<10240x128xf32, #tpu.memory_space<vmem_shared>> -> memref<128x128xf32, #tpu.memory_space<vmem_shared>>
      %dma_wait3A_83 = arith.constant 0 : i32
      %dma_wait3A_84 = tpu.memref_slice %arg10[%add3A_25, %dma_wait3A_83] : memref<10240x128xf32, #tpu.memory_space<vmem_shared>> -> memref<128x128xf32, #tpu.memory_space<vmem_shared>>
      tpu.wait_dma2 semaphore(%run_scoped3A : memref<!tpu.dma_semaphore, #tpu.memory_space<semaphore_mem>>) src(%arg8 : memref<128x128xf32, #tpu.memory_space<vmem>>) dst(%dma_wait3A_84 : memref<128x128xf32, #tpu.memory_space<vmem_shared>>)
      tpu.yield
    }) : () -> ()
    %barrier3A = arith.constant 0 : index
    tpu.barrier barrier_id(%barrier3A)
    "tpu.trace_stop"() : () -> ()
    "tpu.trace_start"() <{level = 10 : i32, message = "agg_idx"}> : () -> ()
    %mul3A_26 = arith.constant 80 : i32
    %mul3A_27 = arith.muli %add3A, %mul3A_26 : i32
    %add3A_28 = arith.constant 0 : i32
    %add3A_29 = arith.addi %mul3A_27, %add3A_28 : i32
    "tpu.region"() ({
      %run_scoped3A = tpu.sem_alloc : memref<!tpu.dma_semaphore, #tpu.memory_space<semaphore_mem>>
      %dma_start3A_78 = arith.constant 0 : i32
      %dma_start3A_79 = tpu.memref_slice %arg3[%add3A_29, %dma_start3A_78] : memref<2560x128xi32, #tpu.memory_space<hbm>> -> memref<40x128xi32, #tpu.memory_space<hbm>>
      %dma_start3A_80 = arith.constant 0 : i32
      %dma_start3A_81 = tpu.memref_slice %arg3[%add3A_29, %dma_start3A_80] : memref<2560x128xi32, #tpu.memory_space<hbm>> -> memref<40x128xi32, #tpu.memory_space<hbm>>
      tpu.enqueue_dma source(%dma_start3A_81 : memref<40x128xi32, #tpu.memory_space<hbm>>) target(%arg6 : memref<40x128xi32, #tpu.memory_space<vmem>>) target_semaphore(%run_scoped3A : memref<!tpu.dma_semaphore, #tpu.memory_space<semaphore_mem>>)
      %dma_wait3A = arith.constant 0 : i32
      %dma_wait3A_82 = tpu.memref_slice %arg3[%add3A_29, %dma_wait3A] : memref<2560x128xi32, #tpu.memory_space<hbm>> -> memref<40x128xi32, #tpu.memory_space<hbm>>
      %dma_wait3A_83 = arith.constant 0 : i32
      %dma_wait3A_84 = tpu.memref_slice %arg3[%add3A_29, %dma_wait3A_83] : memref<2560x128xi32, #tpu.memory_space<hbm>> -> memref<40x128xi32, #tpu.memory_space<hbm>>
      tpu.wait_dma2 semaphore(%run_scoped3A : memref<!tpu.dma_semaphore, #tpu.memory_space<semaphore_mem>>) src(%dma_wait3A_84 : memref<40x128xi32, #tpu.memory_space<hbm>>) dst(%arg6 : memref<40x128xi32, #tpu.memory_space<vmem>>)
      tpu.yield
    }) : () -> ()
    "tpu.region"() ({
      %run_scoped3A = tpu.sem_alloc : memref<!tpu.dma_semaphore, #tpu.memory_space<semaphore_mem>>
      %dma_start3A_78 = arith.constant 0 : i32
      %dma_start3A_79 = tpu.memref_slice %arg4[%add3A_29, %dma_start3A_78] : memref<2560x128xi32, #tpu.memory_space<hbm>> -> memref<40x128xi32, #tpu.memory_space<hbm>>
      %dma_start3A_80 = arith.constant 0 : i32
      %dma_start3A_81 = tpu.memref_slice %arg4[%add3A_29, %dma_start3A_80] : memref<2560x128xi32, #tpu.memory_space<hbm>> -> memref<40x128xi32, #tpu.memory_space<hbm>>
      tpu.enqueue_dma source(%dma_start3A_81 : memref<40x128xi32, #tpu.memory_space<hbm>>) target(%arg7 : memref<40x128xi32, #tpu.memory_space<vmem>>) target_semaphore(%run_scoped3A : memref<!tpu.dma_semaphore, #tpu.memory_space<semaphore_mem>>)
      %dma_wait3A = arith.constant 0 : i32
      %dma_wait3A_82 = tpu.memref_slice %arg4[%add3A_29, %dma_wait3A] : memref<2560x128xi32, #tpu.memory_space<hbm>> -> memref<40x128xi32, #tpu.memory_space<hbm>>
      %dma_wait3A_83 = arith.constant 0 : i32
      %dma_wait3A_84 = tpu.memref_slice %arg4[%add3A_29, %dma_wait3A_83] : memref<2560x128xi32, #tpu.memory_space<hbm>> -> memref<40x128xi32, #tpu.memory_space<hbm>>
      tpu.wait_dma2 semaphore(%run_scoped3A : memref<!tpu.dma_semaphore, #tpu.memory_space<semaphore_mem>>) src(%dma_wait3A_84 : memref<40x128xi32, #tpu.memory_space<hbm>>) dst(%arg7 : memref<40x128xi32, #tpu.memory_space<vmem>>)
      tpu.yield
    }) : () -> ()
    %dma_start3A = arith.constant 0 : i32
    "tpu.trace_stop"() : () -> ()
    %dma_start3A_30 = arith.constant 0 : i32
    %dma_start3A_31 = tpu.memref_slice %arg6[%dma_start3A, %dma_start3A_30] : memref<40x128xi32, #tpu.memory_space<vmem>> -> memref<1x128xi32, #tpu.memory_space<vmem>>
    %dma_start3A_32 = tpu.memref_squeeze %dma_start3A_31 : memref<1x128xi32, #tpu.memory_space<vmem>> -> memref<128xi32, #tpu.memory_space<vmem>>
    %dma_start3A_33 = arith.constant 0 : i32
    %dma_start3A_34 = arith.constant 0 : i32
    %dma_start3A_35 = tpu.memref_slice %arg2[%dma_start3A_33, %dma_start3A_34] : memref<10048x128xf32, #tpu.memory_space<hbm>> -> memref<10048x128xf32, #tpu.memory_space<hbm>>
    tpu.enqueue_indirect_dma source(%dma_start3A_35 : memref<10048x128xf32, #tpu.memory_space<hbm>>) target(%arg8 : memref<128x128xf32, #tpu.memory_space<vmem>>) offsets(%dma_start3A_32 : memref<128xi32, #tpu.memory_space<vmem>>) semaphore(%arg11 : memref<!tpu.dma_semaphore, #tpu.memory_space<semaphore_mem>>)
    %dma_start3A_36 = arith.constant 1 : i32
    %dma_start3A_37 = arith.constant 0 : i32
    %dma_start3A_38 = tpu.memref_slice %arg6[%dma_start3A_36, %dma_start3A_37] : memref<40x128xi32, #tpu.memory_space<vmem>> -> memref<1x128xi32, #tpu.memory_space<vmem>>
    %dma_start3A_39 = tpu.memref_squeeze %dma_start3A_38 : memref<1x128xi32, #tpu.memory_space<vmem>> -> memref<128xi32, #tpu.memory_space<vmem>>
    %dma_start3A_40 = arith.constant 0 : i32
    %dma_start3A_41 = arith.constant 0 : i32
    %dma_start3A_42 = tpu.memref_slice %arg2[%dma_start3A_40, %dma_start3A_41] : memref<10048x128xf32, #tpu.memory_space<hbm>> -> memref<10048x128xf32, #tpu.memory_space<hbm>>
    tpu.enqueue_indirect_dma source(%dma_start3A_42 : memref<10048x128xf32, #tpu.memory_space<hbm>>) target(%arg9 : memref<128x128xf32, #tpu.memory_space<vmem>>) offsets(%dma_start3A_39 : memref<128xi32, #tpu.memory_space<vmem>>) semaphore(%arg12 : memref<!tpu.dma_semaphore, #tpu.memory_space<semaphore_mem>>)
    "tpu.trace_start"() <{level = 10 : i32, message = "agg_loop"}> : () -> ()
    %scan3A_43 = arith.constant 0 : i32
    %scan3A_44 = arith.constant 0 : i32
    %scan3A_45 = arith.constant 20 : i32
    %scan3A_46 = arith.addi %scan3A_44, %scan3A_45 : i32
    %scan3A_47 = arith.constant 1 : i32
    scf.for %scan3A_78 = %scan3A_44 to %scan3A_46 step %scan3A_47  : i32 {
      %mul3A_79 = arith.constant 2 : i32
      %mul3A_80 = arith.muli %mul3A_79, %scan3A_78 : i32
      %add3A_81 = arith.constant 1 : i32
      %add3A_82 = arith.addi %mul3A_80, %add3A_81 : i32
      tpu.wait_dma2 semaphore(%arg11 : memref<!tpu.dma_semaphore, #tpu.memory_space<semaphore_mem>>) src(%arg2 : memref<10048x128xf32, #tpu.memory_space<hbm>>) dst(%arg8 : memref<128x128xf32, #tpu.memory_space<vmem>>)
      "tpu.region"() ({
        %run_scoped3A = tpu.sem_alloc : memref<!tpu.dma_semaphore, #tpu.memory_space<semaphore_mem>>
        %dma_start3A_94 = arith.constant 0 : i32
        %dma_start3A_95 = tpu.memref_slice %arg7[%mul3A_80, %dma_start3A_94] : memref<40x128xi32, #tpu.memory_space<vmem>> -> memref<1x128xi32, #tpu.memory_space<vmem>>
        %dma_start3A_96 = tpu.memref_squeeze %dma_start3A_95 : memref<1x128xi32, #tpu.memory_space<vmem>> -> memref<128xi32, #tpu.memory_space<vmem>>
        %dma_start3A_97 = arith.constant 0 : i32
        %dma_start3A_98 = arith.constant 0 : i32
        %dma_start3A_99 = tpu.memref_slice %arg10[%dma_start3A_97, %dma_start3A_98] : memref<10240x128xf32, #tpu.memory_space<vmem_shared>> -> memref<10240x128xf32, #tpu.memory_space<vmem_shared>>
        tpu.enqueue_indirect_dma source(%arg8 : memref<128x128xf32, #tpu.memory_space<vmem>>) target(%dma_start3A_99 : memref<10240x128xf32, #tpu.memory_space<vmem_shared>>) offsets(%dma_start3A_96 : memref<128xi32, #tpu.memory_space<vmem>>) semaphore(%run_scoped3A : memref<!tpu.dma_semaphore, #tpu.memory_space<semaphore_mem>>) {add = true}
        %dma_wait3A = arith.constant 0 : i32
        %dma_wait3A_100 = tpu.memref_slice %arg7[%mul3A_80, %dma_wait3A] : memref<40x128xi32, #tpu.memory_space<vmem>> -> memref<1x128xi32, #tpu.memory_space<vmem>>
        %dma_wait3A_101 = tpu.memref_squeeze %dma_wait3A_100 : memref<1x128xi32, #tpu.memory_space<vmem>> -> memref<128xi32, #tpu.memory_space<vmem>>
        %dma_wait3A_102 = arith.constant 0 : i32
        %dma_wait3A_103 = arith.constant 0 : i32
        %dma_wait3A_104 = tpu.memref_slice %arg10[%dma_wait3A_102, %dma_wait3A_103] : memref<10240x128xf32, #tpu.memory_space<vmem_shared>> -> memref<10240x128xf32, #tpu.memory_space<vmem_shared>>
        tpu.wait_indirect_dma semaphore(%run_scoped3A : memref<!tpu.dma_semaphore, #tpu.memory_space<semaphore_mem>>) src(%arg8 : memref<128x128xf32, #tpu.memory_space<vmem>>) dst(%dma_wait3A_104 : memref<10240x128xf32, #tpu.memory_space<vmem_shared>>)
        tpu.yield
      }) : () -> ()
      %add3A_83 = arith.constant 2 : i32
      %add3A_84 = arith.addi %mul3A_80, %add3A_83 : i32
      %lt3A = arith.constant 40 : i32
      %lt3A_85 = arith.cmpi slt, %add3A_84, %lt3A : i32
      %convert_element_type3A = arith.extui %lt3A_85 : i1 to i32
      %cond3A = arith.constant 0 : i32
      %cond3A_86 = arith.cmpi ne, %convert_element_type3A, %cond3A : i32
      scf.if %cond3A_86 {
        %add3A_94 = arith.constant 2 : i32
        %add3A_95 = arith.addi %mul3A_80, %add3A_94 : i32
        %dma_start3A_96 = arith.constant 0 : i32
        %dma_start3A_97 = tpu.memref_slice %arg6[%add3A_95, %dma_start3A_96] : memref<40x128xi32, #tpu.memory_space<vmem>> -> memref<1x128xi32, #tpu.memory_space<vmem>>
        %dma_start3A_98 = tpu.memref_squeeze %dma_start3A_97 : memref<1x128xi32, #tpu.memory_space<vmem>> -> memref<128xi32, #tpu.memory_space<vmem>>
        %dma_start3A_99 = arith.constant 0 : i32
        %dma_start3A_100 = arith.constant 0 : i32
        %dma_start3A_101 = tpu.memref_slice %arg2[%dma_start3A_99, %dma_start3A_100] : memref<10048x128xf32, #tpu.memory_space<hbm>> -> memref<10048x128xf32, #tpu.memory_space<hbm>>
        tpu.enqueue_indirect_dma source(%dma_start3A_101 : memref<10048x128xf32, #tpu.memory_space<hbm>>) target(%arg8 : memref<128x128xf32, #tpu.memory_space<vmem>>) offsets(%dma_start3A_98 : memref<128xi32, #tpu.memory_space<vmem>>) semaphore(%arg11 : memref<!tpu.dma_semaphore, #tpu.memory_space<semaphore_mem>>)
      } else {
      }
      tpu.wait_dma2 semaphore(%arg12 : memref<!tpu.dma_semaphore, #tpu.memory_space<semaphore_mem>>) src(%arg2 : memref<10048x128xf32, #tpu.memory_space<hbm>>) dst(%arg9 : memref<128x128xf32, #tpu.memory_space<vmem>>)
      "tpu.region"() ({
        %run_scoped3A = tpu.sem_alloc : memref<!tpu.dma_semaphore, #tpu.memory_space<semaphore_mem>>
        %dma_start3A_94 = arith.constant 0 : i32
        %dma_start3A_95 = tpu.memref_slice %arg7[%add3A_82, %dma_start3A_94] : memref<40x128xi32, #tpu.memory_space<vmem>> -> memref<1x128xi32, #tpu.memory_space<vmem>>
        %dma_start3A_96 = tpu.memref_squeeze %dma_start3A_95 : memref<1x128xi32, #tpu.memory_space<vmem>> -> memref<128xi32, #tpu.memory_space<vmem>>
        %dma_start3A_97 = arith.constant 0 : i32
        %dma_start3A_98 = arith.constant 0 : i32
        %dma_start3A_99 = tpu.memref_slice %arg10[%dma_start3A_97, %dma_start3A_98] : memref<10240x128xf32, #tpu.memory_space<vmem_shared>> -> memref<10240x128xf32, #tpu.memory_space<vmem_shared>>
        tpu.enqueue_indirect_dma source(%arg9 : memref<128x128xf32, #tpu.memory_space<vmem>>) target(%dma_start3A_99 : memref<10240x128xf32, #tpu.memory_space<vmem_shared>>) offsets(%dma_start3A_96 : memref<128xi32, #tpu.memory_space<vmem>>) semaphore(%run_scoped3A : memref<!tpu.dma_semaphore, #tpu.memory_space<semaphore_mem>>) {add = true}
        %dma_wait3A = arith.constant 0 : i32
        %dma_wait3A_100 = tpu.memref_slice %arg7[%add3A_82, %dma_wait3A] : memref<40x128xi32, #tpu.memory_space<vmem>> -> memref<1x128xi32, #tpu.memory_space<vmem>>
        %dma_wait3A_101 = tpu.memref_squeeze %dma_wait3A_100 : memref<1x128xi32, #tpu.memory_space<vmem>> -> memref<128xi32, #tpu.memory_space<vmem>>
        %dma_wait3A_102 = arith.constant 0 : i32
        %dma_wait3A_103 = arith.constant 0 : i32
        %dma_wait3A_104 = tpu.memref_slice %arg10[%dma_wait3A_102, %dma_wait3A_103] : memref<10240x128xf32, #tpu.memory_space<vmem_shared>> -> memref<10240x128xf32, #tpu.memory_space<vmem_shared>>
        tpu.wait_indirect_dma semaphore(%run_scoped3A : memref<!tpu.dma_semaphore, #tpu.memory_space<semaphore_mem>>) src(%arg9 : memref<128x128xf32, #tpu.memory_space<vmem>>) dst(%dma_wait3A_104 : memref<10240x128xf32, #tpu.memory_space<vmem_shared>>)
        tpu.yield
      }) : () -> ()
      %add3A_87 = arith.constant 2 : i32
      %add3A_88 = arith.addi %add3A_82, %add3A_87 : i32
      %lt3A_89 = arith.constant 40 : i32
      %lt3A_90 = arith.cmpi slt, %add3A_88, %lt3A_89 : i32
      %convert_element_type3A_91 = arith.extui %lt3A_90 : i1 to i32
      %cond3A_92 = arith.constant 0 : i32
      %cond3A_93 = arith.cmpi ne, %convert_element_type3A_91, %cond3A_92 : i32
      scf.if %cond3A_93 {
        %add3A_94 = arith.constant 2 : i32
        %add3A_95 = arith.addi %add3A_82, %add3A_94 : i32
        %dma_start3A_96 = arith.constant 0 : i32
        %dma_start3A_97 = tpu.memref_slice %arg6[%add3A_95, %dma_start3A_96] : memref<40x128xi32, #tpu.memory_space<vmem>> -> memref<1x128xi32, #tpu.memory_space<vmem>>
        %dma_start3A_98 = tpu.memref_squeeze %dma_start3A_97 : memref<1x128xi32, #tpu.memory_space<vmem>> -> memref<128xi32, #tpu.memory_space<vmem>>
        %dma_start3A_99 = arith.constant 0 : i32
        %dma_start3A_100 = arith.constant 0 : i32
        %dma_start3A_101 = tpu.memref_slice %arg2[%dma_start3A_99, %dma_start3A_100] : memref<10048x128xf32, #tpu.memory_space<hbm>> -> memref<10048x128xf32, #tpu.memory_space<hbm>>
        tpu.enqueue_indirect_dma source(%dma_start3A_101 : memref<10048x128xf32, #tpu.memory_space<hbm>>) target(%arg9 : memref<128x128xf32, #tpu.memory_space<vmem>>) offsets(%dma_start3A_98 : memref<128xi32, #tpu.memory_space<vmem>>) semaphore(%arg12 : memref<!tpu.dma_semaphore, #tpu.memory_space<semaphore_mem>>)
      } else {
      }
    }
    %scan3A_48 = arith.constant 20 : i32
    "tpu.trace_stop"() : () -> ()
    "tpu.trace_start"() <{level = 10 : i32, message = "agg_idx"}> : () -> ()
    %mul3A_49 = arith.constant 80 : i32
    %mul3A_50 = arith.muli %add3A, %mul3A_49 : i32
    %add3A_51 = arith.constant 40 : i32
    %add3A_52 = arith.addi %mul3A_50, %add3A_51 : i32
    "tpu.region"() ({
      %run_scoped3A = tpu.sem_alloc : memref<!tpu.dma_semaphore, #tpu.memory_space<semaphore_mem>>
      %dma_start3A_78 = arith.constant 0 : i32
      %dma_start3A_79 = tpu.memref_slice %arg3[%add3A_52, %dma_start3A_78] : memref<2560x128xi32, #tpu.memory_space<hbm>> -> memref<40x128xi32, #tpu.memory_space<hbm>>
      %dma_start3A_80 = arith.constant 0 : i32
      %dma_start3A_81 = tpu.memref_slice %arg3[%add3A_52, %dma_start3A_80] : memref<2560x128xi32, #tpu.memory_space<hbm>> -> memref<40x128xi32, #tpu.memory_space<hbm>>
      tpu.enqueue_dma source(%dma_start3A_81 : memref<40x128xi32, #tpu.memory_space<hbm>>) target(%arg6 : memref<40x128xi32, #tpu.memory_space<vmem>>) target_semaphore(%run_scoped3A : memref<!tpu.dma_semaphore, #tpu.memory_space<semaphore_mem>>)
      %dma_wait3A = arith.constant 0 : i32
      %dma_wait3A_82 = tpu.memref_slice %arg3[%add3A_52, %dma_wait3A] : memref<2560x128xi32, #tpu.memory_space<hbm>> -> memref<40x128xi32, #tpu.memory_space<hbm>>
      %dma_wait3A_83 = arith.constant 0 : i32
      %dma_wait3A_84 = tpu.memref_slice %arg3[%add3A_52, %dma_wait3A_83] : memref<2560x128xi32, #tpu.memory_space<hbm>> -> memref<40x128xi32, #tpu.memory_space<hbm>>
      tpu.wait_dma2 semaphore(%run_scoped3A : memref<!tpu.dma_semaphore, #tpu.memory_space<semaphore_mem>>) src(%dma_wait3A_84 : memref<40x128xi32, #tpu.memory_space<hbm>>) dst(%arg6 : memref<40x128xi32, #tpu.memory_space<vmem>>)
      tpu.yield
    }) : () -> ()
    "tpu.region"() ({
      %run_scoped3A = tpu.sem_alloc : memref<!tpu.dma_semaphore, #tpu.memory_space<semaphore_mem>>
      %dma_start3A_78 = arith.constant 0 : i32
      %dma_start3A_79 = tpu.memref_slice %arg4[%add3A_52, %dma_start3A_78] : memref<2560x128xi32, #tpu.memory_space<hbm>> -> memref<40x128xi32, #tpu.memory_space<hbm>>
      %dma_start3A_80 = arith.constant 0 : i32
      %dma_start3A_81 = tpu.memref_slice %arg4[%add3A_52, %dma_start3A_80] : memref<2560x128xi32, #tpu.memory_space<hbm>> -> memref<40x128xi32, #tpu.memory_space<hbm>>
      tpu.enqueue_dma source(%dma_start3A_81 : memref<40x128xi32, #tpu.memory_space<hbm>>) target(%arg7 : memref<40x128xi32, #tpu.memory_space<vmem>>) target_semaphore(%run_scoped3A : memref<!tpu.dma_semaphore, #tpu.memory_space<semaphore_mem>>)
      %dma_wait3A = arith.constant 0 : i32
      %dma_wait3A_82 = tpu.memref_slice %arg4[%add3A_52, %dma_wait3A] : memref<2560x128xi32, #tpu.memory_space<hbm>> -> memref<40x128xi32, #tpu.memory_space<hbm>>
      %dma_wait3A_83 = arith.constant 0 : i32
      %dma_wait3A_84 = tpu.memref_slice %arg4[%add3A_52, %dma_wait3A_83] : memref<2560x128xi32, #tpu.memory_space<hbm>> -> memref<40x128xi32, #tpu.memory_space<hbm>>
      tpu.wait_dma2 semaphore(%run_scoped3A : memref<!tpu.dma_semaphore, #tpu.memory_space<semaphore_mem>>) src(%dma_wait3A_84 : memref<40x128xi32, #tpu.memory_space<hbm>>) dst(%arg7 : memref<40x128xi32, #tpu.memory_space<vmem>>)
      tpu.yield
    }) : () -> ()
    %dma_start3A_53 = arith.constant 0 : i32
    "tpu.trace_stop"() : () -> ()
    %dma_start3A_54 = arith.constant 0 : i32
    %dma_start3A_55 = tpu.memref_slice %arg6[%dma_start3A_53, %dma_start3A_54] : memref<40x128xi32, #tpu.memory_space<vmem>> -> memref<1x128xi32, #tpu.memory_space<vmem>>
    %dma_start3A_56 = tpu.memref_squeeze %dma_start3A_55 : memref<1x128xi32, #tpu.memory_space<vmem>> -> memref<128xi32, #tpu.memory_space<vmem>>
    %dma_start3A_57 = arith.constant 0 : i32
    %dma_start3A_58 = arith.constant 0 : i32
    %dma_start3A_59 = tpu.memref_slice %arg2[%dma_start3A_57, %dma_start3A_58] : memref<10048x128xf32, #tpu.memory_space<hbm>> -> memref<10048x128xf32, #tpu.memory_space<hbm>>
    tpu.enqueue_indirect_dma source(%dma_start3A_59 : memref<10048x128xf32, #tpu.memory_space<hbm>>) target(%arg8 : memref<128x128xf32, #tpu.memory_space<vmem>>) offsets(%dma_start3A_56 : memref<128xi32, #tpu.memory_space<vmem>>) semaphore(%arg11 : memref<!tpu.dma_semaphore, #tpu.memory_space<semaphore_mem>>)
    %dma_start3A_60 = arith.constant 1 : i32
    %dma_start3A_61 = arith.constant 0 : i32
    %dma_start3A_62 = tpu.memref_slice %arg6[%dma_start3A_60, %dma_start3A_61] : memref<40x128xi32, #tpu.memory_space<vmem>> -> memref<1x128xi32, #tpu.memory_space<vmem>>
    %dma_start3A_63 = tpu.memref_squeeze %dma_start3A_62 : memref<1x128xi32, #tpu.memory_space<vmem>> -> memref<128xi32, #tpu.memory_space<vmem>>
    %dma_start3A_64 = arith.constant 0 : i32
    %dma_start3A_65 = arith.constant 0 : i32
    %dma_start3A_66 = tpu.memref_slice %arg2[%dma_start3A_64, %dma_start3A_65] : memref<10048x128xf32, #tpu.memory_space<hbm>> -> memref<10048x128xf32, #tpu.memory_space<hbm>>
    tpu.enqueue_indirect_dma source(%dma_start3A_66 : memref<10048x128xf32, #tpu.memory_space<hbm>>) target(%arg9 : memref<128x128xf32, #tpu.memory_space<vmem>>) offsets(%dma_start3A_63 : memref<128xi32, #tpu.memory_space<vmem>>) semaphore(%arg12 : memref<!tpu.dma_semaphore, #tpu.memory_space<semaphore_mem>>)
    "tpu.trace_start"() <{level = 10 : i32, message = "agg_loop"}> : () -> ()
    %scan3A_67 = arith.constant 0 : i32
    %scan3A_68 = arith.constant 0 : i32
    %scan3A_69 = arith.constant 20 : i32
    %scan3A_70 = arith.addi %scan3A_68, %scan3A_69 : i32
    %scan3A_71 = arith.constant 1 : i32
    scf.for %scan3A_78 = %scan3A_68 to %scan3A_70 step %scan3A_71  : i32 {
      %mul3A_79 = arith.constant 2 : i32
      %mul3A_80 = arith.muli %mul3A_79, %scan3A_78 : i32
      %add3A_81 = arith.constant 1 : i32
      %add3A_82 = arith.addi %mul3A_80, %add3A_81 : i32
      tpu.wait_dma2 semaphore(%arg11 : memref<!tpu.dma_semaphore, #tpu.memory_space<semaphore_mem>>) src(%arg2 : memref<10048x128xf32, #tpu.memory_space<hbm>>) dst(%arg8 : memref<128x128xf32, #tpu.memory_space<vmem>>)
      "tpu.region"() ({
        %run_scoped3A = tpu.sem_alloc : memref<!tpu.dma_semaphore, #tpu.memory_space<semaphore_mem>>
        %dma_start3A_94 = arith.constant 0 : i32
        %dma_start3A_95 = tpu.memref_slice %arg7[%mul3A_80, %dma_start3A_94] : memref<40x128xi32, #tpu.memory_space<vmem>> -> memref<1x128xi32, #tpu.memory_space<vmem>>
        %dma_start3A_96 = tpu.memref_squeeze %dma_start3A_95 : memref<1x128xi32, #tpu.memory_space<vmem>> -> memref<128xi32, #tpu.memory_space<vmem>>
        %dma_start3A_97 = arith.constant 0 : i32
        %dma_start3A_98 = arith.constant 0 : i32
        %dma_start3A_99 = tpu.memref_slice %arg10[%dma_start3A_97, %dma_start3A_98] : memref<10240x128xf32, #tpu.memory_space<vmem_shared>> -> memref<10240x128xf32, #tpu.memory_space<vmem_shared>>
        tpu.enqueue_indirect_dma source(%arg8 : memref<128x128xf32, #tpu.memory_space<vmem>>) target(%dma_start3A_99 : memref<10240x128xf32, #tpu.memory_space<vmem_shared>>) offsets(%dma_start3A_96 : memref<128xi32, #tpu.memory_space<vmem>>) semaphore(%run_scoped3A : memref<!tpu.dma_semaphore, #tpu.memory_space<semaphore_mem>>) {add = true}
        %dma_wait3A = arith.constant 0 : i32
        %dma_wait3A_100 = tpu.memref_slice %arg7[%mul3A_80, %dma_wait3A] : memref<40x128xi32, #tpu.memory_space<vmem>> -> memref<1x128xi32, #tpu.memory_space<vmem>>
        %dma_wait3A_101 = tpu.memref_squeeze %dma_wait3A_100 : memref<1x128xi32, #tpu.memory_space<vmem>> -> memref<128xi32, #tpu.memory_space<vmem>>
        %dma_wait3A_102 = arith.constant 0 : i32
        %dma_wait3A_103 = arith.constant 0 : i32
        %dma_wait3A_104 = tpu.memref_slice %arg10[%dma_wait3A_102, %dma_wait3A_103] : memref<10240x128xf32, #tpu.memory_space<vmem_shared>> -> memref<10240x128xf32, #tpu.memory_space<vmem_shared>>
        tpu.wait_indirect_dma semaphore(%run_scoped3A : memref<!tpu.dma_semaphore, #tpu.memory_space<semaphore_mem>>) src(%arg8 : memref<128x128xf32, #tpu.memory_space<vmem>>) dst(%dma_wait3A_104 : memref<10240x128xf32, #tpu.memory_space<vmem_shared>>)
        tpu.yield
      }) : () -> ()
      %add3A_83 = arith.constant 2 : i32
      %add3A_84 = arith.addi %mul3A_80, %add3A_83 : i32
      %lt3A = arith.constant 40 : i32
      %lt3A_85 = arith.cmpi slt, %add3A_84, %lt3A : i32
      %convert_element_type3A = arith.extui %lt3A_85 : i1 to i32
      %cond3A = arith.constant 0 : i32
      %cond3A_86 = arith.cmpi ne, %convert_element_type3A, %cond3A : i32
      scf.if %cond3A_86 {
        %add3A_94 = arith.constant 2 : i32
        %add3A_95 = arith.addi %mul3A_80, %add3A_94 : i32
        %dma_start3A_96 = arith.constant 0 : i32
        %dma_start3A_97 = tpu.memref_slice %arg6[%add3A_95, %dma_start3A_96] : memref<40x128xi32, #tpu.memory_space<vmem>> -> memref<1x128xi32, #tpu.memory_space<vmem>>
        %dma_start3A_98 = tpu.memref_squeeze %dma_start3A_97 : memref<1x128xi32, #tpu.memory_space<vmem>> -> memref<128xi32, #tpu.memory_space<vmem>>
        %dma_start3A_99 = arith.constant 0 : i32
        %dma_start3A_100 = arith.constant 0 : i32
        %dma_start3A_101 = tpu.memref_slice %arg2[%dma_start3A_99, %dma_start3A_100] : memref<10048x128xf32, #tpu.memory_space<hbm>> -> memref<10048x128xf32, #tpu.memory_space<hbm>>
        tpu.enqueue_indirect_dma source(%dma_start3A_101 : memref<10048x128xf32, #tpu.memory_space<hbm>>) target(%arg8 : memref<128x128xf32, #tpu.memory_space<vmem>>) offsets(%dma_start3A_98 : memref<128xi32, #tpu.memory_space<vmem>>) semaphore(%arg11 : memref<!tpu.dma_semaphore, #tpu.memory_space<semaphore_mem>>)
      } else {
      }
      tpu.wait_dma2 semaphore(%arg12 : memref<!tpu.dma_semaphore, #tpu.memory_space<semaphore_mem>>) src(%arg2 : memref<10048x128xf32, #tpu.memory_space<hbm>>) dst(%arg9 : memref<128x128xf32, #tpu.memory_space<vmem>>)
      "tpu.region"() ({
        %run_scoped3A = tpu.sem_alloc : memref<!tpu.dma_semaphore, #tpu.memory_space<semaphore_mem>>
        %dma_start3A_94 = arith.constant 0 : i32
        %dma_start3A_95 = tpu.memref_slice %arg7[%add3A_82, %dma_start3A_94] : memref<40x128xi32, #tpu.memory_space<vmem>> -> memref<1x128xi32, #tpu.memory_space<vmem>>
        %dma_start3A_96 = tpu.memref_squeeze %dma_start3A_95 : memref<1x128xi32, #tpu.memory_space<vmem>> -> memref<128xi32, #tpu.memory_space<vmem>>
        %dma_start3A_97 = arith.constant 0 : i32
        %dma_start3A_98 = arith.constant 0 : i32
        %dma_start3A_99 = tpu.memref_slice %arg10[%dma_start3A_97, %dma_start3A_98] : memref<10240x128xf32, #tpu.memory_space<vmem_shared>> -> memref<10240x128xf32, #tpu.memory_space<vmem_shared>>
        tpu.enqueue_indirect_dma source(%arg9 : memref<128x128xf32, #tpu.memory_space<vmem>>) target(%dma_start3A_99 : memref<10240x128xf32, #tpu.memory_space<vmem_shared>>) offsets(%dma_start3A_96 : memref<128xi32, #tpu.memory_space<vmem>>) semaphore(%run_scoped3A : memref<!tpu.dma_semaphore, #tpu.memory_space<semaphore_mem>>) {add = true}
        %dma_wait3A = arith.constant 0 : i32
        %dma_wait3A_100 = tpu.memref_slice %arg7[%add3A_82, %dma_wait3A] : memref<40x128xi32, #tpu.memory_space<vmem>> -> memref<1x128xi32, #tpu.memory_space<vmem>>
        %dma_wait3A_101 = tpu.memref_squeeze %dma_wait3A_100 : memref<1x128xi32, #tpu.memory_space<vmem>> -> memref<128xi32, #tpu.memory_space<vmem>>
        %dma_wait3A_102 = arith.constant 0 : i32
        %dma_wait3A_103 = arith.constant 0 : i32
        %dma_wait3A_104 = tpu.memref_slice %arg10[%dma_wait3A_102, %dma_wait3A_103] : memref<10240x128xf32, #tpu.memory_space<vmem_shared>> -> memref<10240x128xf32, #tpu.memory_space<vmem_shared>>
        tpu.wait_indirect_dma semaphore(%run_scoped3A : memref<!tpu.dma_semaphore, #tpu.memory_space<semaphore_mem>>) src(%arg9 : memref<128x128xf32, #tpu.memory_space<vmem>>) dst(%dma_wait3A_104 : memref<10240x128xf32, #tpu.memory_space<vmem_shared>>)
        tpu.yield
      }) : () -> ()
      %add3A_87 = arith.constant 2 : i32
      %add3A_88 = arith.addi %add3A_82, %add3A_87 : i32
      %lt3A_89 = arith.constant 40 : i32
      %lt3A_90 = arith.cmpi slt, %add3A_88, %lt3A_89 : i32
      %convert_element_type3A_91 = arith.extui %lt3A_90 : i1 to i32
      %cond3A_92 = arith.constant 0 : i32
      %cond3A_93 = arith.cmpi ne, %convert_element_type3A_91, %cond3A_92 : i32
      scf.if %cond3A_93 {
        %add3A_94 = arith.constant 2 : i32
        %add3A_95 = arith.addi %add3A_82, %add3A_94 : i32
        %dma_start3A_96 = arith.constant 0 : i32
        %dma_start3A_97 = tpu.memref_slice %arg6[%add3A_95, %dma_start3A_96] : memref<40x128xi32, #tpu.memory_space<vmem>> -> memref<1x128xi32, #tpu.memory_space<vmem>>
        %dma_start3A_98 = tpu.memref_squeeze %dma_start3A_97 : memref<1x128xi32, #tpu.memory_space<vmem>> -> memref<128xi32, #tpu.memory_space<vmem>>
        %dma_start3A_99 = arith.constant 0 : i32
        %dma_start3A_100 = arith.constant 0 : i32
        %dma_start3A_101 = tpu.memref_slice %arg2[%dma_start3A_99, %dma_start3A_100] : memref<10048x128xf32, #tpu.memory_space<hbm>> -> memref<10048x128xf32, #tpu.memory_space<hbm>>
        tpu.enqueue_indirect_dma source(%dma_start3A_101 : memref<10048x128xf32, #tpu.memory_space<hbm>>) target(%arg9 : memref<128x128xf32, #tpu.memory_space<vmem>>) offsets(%dma_start3A_98 : memref<128xi32, #tpu.memory_space<vmem>>) semaphore(%arg12 : memref<!tpu.dma_semaphore, #tpu.memory_space<semaphore_mem>>)
      } else {
      }
    }
    %scan3A_72 = arith.constant 20 : i32
    "tpu.trace_stop"() : () -> ()
    "tpu.trace_start"() <{level = 10 : i32, message = "agg_dump"}> : () -> ()
    %barrier3A_73 = arith.constant 0 : index
    tpu.barrier barrier_id(%barrier3A_73)
    %mul3A_74 = arith.constant 640 : i32
    %mul3A_75 = arith.muli %arg1, %mul3A_74 : i32
    %mul3A_76 = arith.constant 640 : i32
    %mul3A_77 = arith.muli %arg1, %mul3A_76 : i32
    "tpu.region"() ({
      %run_scoped3A = tpu.sem_alloc : memref<!tpu.dma_semaphore, #tpu.memory_space<semaphore_mem>>
      %dma_start3A_78 = arith.constant 0 : i32
      %dma_start3A_79 = tpu.memref_slice %arg5[%arg0, %mul3A_77, %dma_start3A_78] : memref<2x10240x128xf32, #tpu.memory_space<hbm>> -> memref<1x640x128xf32, #tpu.memory_space<hbm>>
      %dma_start3A_80 = tpu.memref_squeeze %dma_start3A_79 : memref<1x640x128xf32, #tpu.memory_space<hbm>> -> memref<640x128xf32, #tpu.memory_space<hbm>>
      %dma_start3A_81 = arith.constant 0 : i32
      %dma_start3A_82 = tpu.memref_slice %arg10[%mul3A_75, %dma_start3A_81] : memref<10240x128xf32, #tpu.memory_space<vmem_shared>> -> memref<640x128xf32, #tpu.memory_space<vmem_shared>>
      tpu.enqueue_dma source(%dma_start3A_82 : memref<640x128xf32, #tpu.memory_space<vmem_shared>>) target(%dma_start3A_80 : memref<640x128xf32, #tpu.memory_space<hbm>>) target_semaphore(%run_scoped3A : memref<!tpu.dma_semaphore, #tpu.memory_space<semaphore_mem>>)
      %dma_wait3A = arith.constant 0 : i32
      %dma_wait3A_83 = tpu.memref_slice %arg5[%arg0, %mul3A_77, %dma_wait3A] : memref<2x10240x128xf32, #tpu.memory_space<hbm>> -> memref<1x640x128xf32, #tpu.memory_space<hbm>>
      %dma_wait3A_84 = tpu.memref_squeeze %dma_wait3A_83 : memref<1x640x128xf32, #tpu.memory_space<hbm>> -> memref<640x128xf32, #tpu.memory_space<hbm>>
      %dma_wait3A_85 = arith.constant 0 : i32
      %dma_wait3A_86 = tpu.memref_slice %arg10[%mul3A_75, %dma_wait3A_85] : memref<10240x128xf32, #tpu.memory_space<vmem_shared>> -> memref<640x128xf32, #tpu.memory_space<vmem_shared>>
      tpu.wait_dma2 semaphore(%run_scoped3A : memref<!tpu.dma_semaphore, #tpu.memory_space<semaphore_mem>>) src(%dma_wait3A_86 : memref<640x128xf32, #tpu.memory_space<vmem_shared>>) dst(%dma_wait3A_84 : memref<640x128xf32, #tpu.memory_space<hbm>>)
      tpu.yield
    }) : () -> ()
    "tpu.trace_stop"() : () -> ()
    return
  }
}

#map = affine_map<(d0, d1) -> (0, 0)>
module attributes {stable_mosaic.version = 14 : i64} {
  func.func @_sc_degree(%arg0: i32, %arg1: i32, %arg2: memref<2560x128xi32, #tpu.memory_space<hbm>>, %arg3: memref<2x10240xf32, #tpu.memory_space<hbm>>, %arg4: memref<80x128xi32, #tpu.memory_space<vmem>>, %arg5: memref<128xf32, #tpu.memory_space<vmem>>, %arg6: memref<640xf32, #tpu.memory_space<vmem>>, %arg7: memref<10240xf32, #tpu.memory_space<vmem_shared>>) attributes {dimension_semantics = [#tpu.dimension_semantics<core_parallel>, #tpu.dimension_semantics<subcore_parallel>], iteration_bounds = array<i64: 2, 16>, scalar_prefetch = 0 : i64, scratch_operands = 4 : i64, tpu.core_type = #tpu.core_type<sc_vector_subcore>, window_params = [{transform_indices = #map}, {transform_indices = #map}]} {
    %mul3A = arith.constant 2 : i32
    %mul3A_0 = arith.muli %arg1, %mul3A : i32
    %add3A = arith.addi %mul3A_0, %arg0 : i32
    %mul3A_1 = arith.constant 80 : i32
    %mul3A_2 = arith.muli %add3A, %mul3A_1 : i32
    "tpu.region"() ({
      %run_scoped3A = tpu.sem_alloc : memref<!tpu.dma_semaphore, #tpu.memory_space<semaphore_mem>>
      %dma_start3A = arith.constant 0 : i32
      %dma_start3A_67 = tpu.memref_slice %arg2[%mul3A_2, %dma_start3A] : memref<2560x128xi32, #tpu.memory_space<hbm>> -> memref<80x128xi32, #tpu.memory_space<hbm>>
      %dma_start3A_68 = arith.constant 0 : i32
      %dma_start3A_69 = tpu.memref_slice %arg2[%mul3A_2, %dma_start3A_68] : memref<2560x128xi32, #tpu.memory_space<hbm>> -> memref<80x128xi32, #tpu.memory_space<hbm>>
      tpu.enqueue_dma source(%dma_start3A_69 : memref<80x128xi32, #tpu.memory_space<hbm>>) target(%arg4 : memref<80x128xi32, #tpu.memory_space<vmem>>) target_semaphore(%run_scoped3A : memref<!tpu.dma_semaphore, #tpu.memory_space<semaphore_mem>>)
      %dma_wait3A = arith.constant 0 : i32
      %dma_wait3A_70 = tpu.memref_slice %arg2[%mul3A_2, %dma_wait3A] : memref<2560x128xi32, #tpu.memory_space<hbm>> -> memref<80x128xi32, #tpu.memory_space<hbm>>
      %dma_wait3A_71 = arith.constant 0 : i32
      %dma_wait3A_72 = tpu.memref_slice %arg2[%mul3A_2, %dma_wait3A_71] : memref<2560x128xi32, #tpu.memory_space<hbm>> -> memref<80x128xi32, #tpu.memory_space<hbm>>
      tpu.wait_dma2 semaphore(%run_scoped3A : memref<!tpu.dma_semaphore, #tpu.memory_space<semaphore_mem>>) src(%dma_wait3A_72 : memref<80x128xi32, #tpu.memory_space<hbm>>) dst(%arg4 : memref<80x128xi32, #tpu.memory_space<vmem>>)
      tpu.yield
    }) : () -> ()
    %broadcast_in_dim3A = arith.constant 1.000000e+00 : f32
    %broadcast_in_dim3A_3 = vector.broadcast %broadcast_in_dim3A : f32 to vector<16xf32>
    %swap3A = arith.constant 0 : index
    %swap3A_4 = tpu.vector_load %arg5[%swap3A] {strides = array<i32>} : memref<128xf32, #tpu.memory_space<vmem>>, vector<16xf32>,
    %swap3A_5 = vector.shape_cast %swap3A_4 : vector<16xf32> to vector<16xf32>
    %swap3A_6 = vector.shape_cast %broadcast_in_dim3A_3 : vector<16xf32> to vector<16xf32>
    tpu.vector_store %arg5[%swap3A], %swap3A_6 {strides = array<i32>} : memref<128xf32, #tpu.memory_space<vmem>>, vector<16xf32>,
    %broadcast_in_dim3A_7 = arith.constant 1.000000e+00 : f32
    %broadcast_in_dim3A_8 = vector.broadcast %broadcast_in_dim3A_7 : f32 to vector<16xf32>
    %swap3A_9 = arith.constant 16 : index
    %swap3A_10 = tpu.vector_load %arg5[%swap3A_9] {strides = array<i32>} : memref<128xf32, #tpu.memory_space<vmem>>, vector<16xf32>,
    %swap3A_11 = vector.shape_cast %swap3A_10 : vector<16xf32> to vector<16xf32>
    %swap3A_12 = vector.shape_cast %broadcast_in_dim3A_8 : vector<16xf32> to vector<16xf32>
    tpu.vector_store %arg5[%swap3A_9], %swap3A_12 {strides = array<i32>} : memref<128xf32, #tpu.memory_space<vmem>>, vector<16xf32>,
    %broadcast_in_dim3A_13 = arith.constant 1.000000e+00 : f32
    %broadcast_in_dim3A_14 = vector.broadcast %broadcast_in_dim3A_13 : f32 to vector<16xf32>
    %swap3A_15 = arith.constant 32 : index
    %swap3A_16 = tpu.vector_load %arg5[%swap3A_15] {strides = array<i32>} : memref<128xf32, #tpu.memory_space<vmem>>, vector<16xf32>,
    %swap3A_17 = vector.shape_cast %swap3A_16 : vector<16xf32> to vector<16xf32>
    %swap3A_18 = vector.shape_cast %broadcast_in_dim3A_14 : vector<16xf32> to vector<16xf32>
    tpu.vector_store %arg5[%swap3A_15], %swap3A_18 {strides = array<i32>} : memref<128xf32, #tpu.memory_space<vmem>>, vector<16xf32>,
    %broadcast_in_dim3A_19 = arith.constant 1.000000e+00 : f32
    %broadcast_in_dim3A_20 = vector.broadcast %broadcast_in_dim3A_19 : f32 to vector<16xf32>
    %swap3A_21 = arith.constant 48 : index
    %swap3A_22 = tpu.vector_load %arg5[%swap3A_21] {strides = array<i32>} : memref<128xf32, #tpu.memory_space<vmem>>, vector<16xf32>,
    %swap3A_23 = vector.shape_cast %swap3A_22 : vector<16xf32> to vector<16xf32>
    %swap3A_24 = vector.shape_cast %broadcast_in_dim3A_20 : vector<16xf32> to vector<16xf32>
    tpu.vector_store %arg5[%swap3A_21], %swap3A_24 {strides = array<i32>} : memref<128xf32, #tpu.memory_space<vmem>>, vector<16xf32>,
    %broadcast_in_dim3A_25 = arith.constant 1.000000e+00 : f32
    %broadcast_in_dim3A_26 = vector.broadcast %broadcast_in_dim3A_25 : f32 to vector<16xf32>
    %swap3A_27 = arith.constant 64 : index
    %swap3A_28 = tpu.vector_load %arg5[%swap3A_27] {strides = array<i32>} : memref<128xf32, #tpu.memory_space<vmem>>, vector<16xf32>,
    %swap3A_29 = vector.shape_cast %swap3A_28 : vector<16xf32> to vector<16xf32>
    %swap3A_30 = vector.shape_cast %broadcast_in_dim3A_26 : vector<16xf32> to vector<16xf32>
    tpu.vector_store %arg5[%swap3A_27], %swap3A_30 {strides = array<i32>} : memref<128xf32, #tpu.memory_space<vmem>>, vector<16xf32>,
    %broadcast_in_dim3A_31 = arith.constant 1.000000e+00 : f32
    %broadcast_in_dim3A_32 = vector.broadcast %broadcast_in_dim3A_31 : f32 to vector<16xf32>
    %swap3A_33 = arith.constant 80 : index
    %swap3A_34 = tpu.vector_load %arg5[%swap3A_33] {strides = array<i32>} : memref<128xf32, #tpu.memory_space<vmem>>, vector<16xf32>,
    %swap3A_35 = vector.shape_cast %swap3A_34 : vector<16xf32> to vector<16xf32>
    %swap3A_36 = vector.shape_cast %broadcast_in_dim3A_32 : vector<16xf32> to vector<16xf32>
    tpu.vector_store %arg5[%swap3A_33], %swap3A_36 {strides = array<i32>} : memref<128xf32, #tpu.memory_space<vmem>>, vector<16xf32>,
    %broadcast_in_dim3A_37 = arith.constant 1.000000e+00 : f32
    %broadcast_in_dim3A_38 = vector.broadcast %broadcast_in_dim3A_37 : f32 to vector<16xf32>
    %swap3A_39 = arith.constant 96 : index
    %swap3A_40 = tpu.vector_load %arg5[%swap3A_39] {strides = array<i32>} : memref<128xf32, #tpu.memory_space<vmem>>, vector<16xf32>,
    %swap3A_41 = vector.shape_cast %swap3A_40 : vector<16xf32> to vector<16xf32>
    %swap3A_42 = vector.shape_cast %broadcast_in_dim3A_38 : vector<16xf32> to vector<16xf32>
    tpu.vector_store %arg5[%swap3A_39], %swap3A_42 {strides = array<i32>} : memref<128xf32, #tpu.memory_space<vmem>>, vector<16xf32>,
    %broadcast_in_dim3A_43 = arith.constant 1.000000e+00 : f32
    %broadcast_in_dim3A_44 = vector.broadcast %broadcast_in_dim3A_43 : f32 to vector<16xf32>
    %swap3A_45 = arith.constant 112 : index
    %swap3A_46 = tpu.vector_load %arg5[%swap3A_45] {strides = array<i32>} : memref<128xf32, #tpu.memory_space<vmem>>, vector<16xf32>,
    %swap3A_47 = vector.shape_cast %swap3A_46 : vector<16xf32> to vector<16xf32>
    %swap3A_48 = vector.shape_cast %broadcast_in_dim3A_44 : vector<16xf32> to vector<16xf32>
    tpu.vector_store %arg5[%swap3A_45], %swap3A_48 {strides = array<i32>} : memref<128xf32, #tpu.memory_space<vmem>>, vector<16xf32>,
    %scan3A = arith.constant 0 : i32
    %scan3A_49 = arith.constant 0 : i32
    %scan3A_50 = arith.constant 40 : i32
    %scan3A_51 = arith.addi %scan3A_49, %scan3A_50 : i32
    %scan3A_52 = arith.constant 1 : i32
    scf.for %scan3A_67 = %scan3A_49 to %scan3A_51 step %scan3A_52  : i32 {
      %broadcast_in_dim3A_68 = arith.constant 0.000000e+00 : f32
      %broadcast_in_dim3A_69 = vector.broadcast %broadcast_in_dim3A_68 : f32 to vector<16xf32>
      %mul3A_70 = arith.constant 16 : i32
      %mul3A_71 = arith.muli %scan3A_67, %mul3A_70 : i32
      %swap3A_72 = arith.index_cast %mul3A_71 : i32 to index
      %swap3A_73 = tpu.vector_load %arg6[%swap3A_72] {strides = array<i32>} : memref<640xf32, #tpu.memory_space<vmem>>, vector<16xf32>,
      %swap3A_74 = vector.shape_cast %swap3A_73 : vector<16xf32> to vector<16xf32>
      %swap3A_75 = vector.shape_cast %broadcast_in_dim3A_69 : vector<16xf32> to vector<16xf32>
      tpu.vector_store %arg6[%swap3A_72], %swap3A_75 {strides = array<i32>} : memref<640xf32, #tpu.memory_space<vmem>>, vector<16xf32>,
    }
    %scan3A_53 = arith.constant 40 : i32
    %mul3A_54 = arith.constant 640 : i32
    %mul3A_55 = arith.muli %arg1, %mul3A_54 : i32
    "tpu.region"() ({
      %run_scoped3A = tpu.sem_alloc : memref<!tpu.dma_semaphore, #tpu.memory_space<semaphore_mem>>
      %dma_start3A = tpu.memref_slice %arg7[%mul3A_55] : memref<10240xf32, #tpu.memory_space<vmem_shared>> -> memref<640xf32, #tpu.memory_space<vmem_shared>>
      %dma_start3A_67 = tpu.memref_slice %arg7[%mul3A_55] : memref<10240xf32, #tpu.memory_space<vmem_shared>> -> memref<640xf32, #tpu.memory_space<vmem_shared>>
      tpu.enqueue_dma source(%arg6 : memref<640xf32, #tpu.memory_space<vmem>>) target(%dma_start3A_67 : memref<640xf32, #tpu.memory_space<vmem_shared>>) target_semaphore(%run_scoped3A : memref<!tpu.dma_semaphore, #tpu.memory_space<semaphore_mem>>)
      %dma_wait3A = tpu.memref_slice %arg7[%mul3A_55] : memref<10240xf32, #tpu.memory_space<vmem_shared>> -> memref<640xf32, #tpu.memory_space<vmem_shared>>
      %dma_wait3A_68 = tpu.memref_slice %arg7[%mul3A_55] : memref<10240xf32, #tpu.memory_space<vmem_shared>> -> memref<640xf32, #tpu.memory_space<vmem_shared>>
      tpu.wait_dma2 semaphore(%run_scoped3A : memref<!tpu.dma_semaphore, #tpu.memory_space<semaphore_mem>>) src(%arg6 : memref<640xf32, #tpu.memory_space<vmem>>) dst(%dma_wait3A_68 : memref<640xf32, #tpu.memory_space<vmem_shared>>)
      tpu.yield
    }) : () -> ()
    %barrier3A = arith.constant 0 : index
    tpu.barrier barrier_id(%barrier3A)
    %scan3A_56 = arith.constant 0 : i32
    %scan3A_57 = arith.constant 0 : i32
    %scan3A_58 = arith.constant 80 : i32
    %scan3A_59 = arith.addi %scan3A_57, %scan3A_58 : i32
    %scan3A_60 = arith.constant 1 : i32
    scf.for %scan3A_67 = %scan3A_57 to %scan3A_59 step %scan3A_60  : i32 {
      "tpu.region"() ({
        %run_scoped3A = tpu.sem_alloc : memref<!tpu.dma_semaphore, #tpu.memory_space<semaphore_mem>>
        %dma_start3A = arith.constant 0 : i32
        %dma_start3A_68 = tpu.memref_slice %arg4[%scan3A_67, %dma_start3A] : memref<80x128xi32, #tpu.memory_space<vmem>> -> memref<1x128xi32, #tpu.memory_space<vmem>>
        %dma_start3A_69 = tpu.memref_squeeze %dma_start3A_68 : memref<1x128xi32, #tpu.memory_space<vmem>> -> memref<128xi32, #tpu.memory_space<vmem>>
        %dma_start3A_70 = arith.constant 0 : i32
        %dma_start3A_71 = tpu.memref_slice %arg7[%dma_start3A_70] : memref<10240xf32, #tpu.memory_space<vmem_shared>> -> memref<10240xf32, #tpu.memory_space<vmem_shared>>
        tpu.enqueue_indirect_dma source(%arg5 : memref<128xf32, #tpu.memory_space<vmem>>) target(%dma_start3A_71 : memref<10240xf32, #tpu.memory_space<vmem_shared>>) offsets(%dma_start3A_69 : memref<128xi32, #tpu.memory_space<vmem>>) semaphore(%run_scoped3A : memref<!tpu.dma_semaphore, #tpu.memory_space<semaphore_mem>>) {add = true}
        %dma_wait3A = arith.constant 0 : i32
        %dma_wait3A_72 = tpu.memref_slice %arg4[%scan3A_67, %dma_wait3A] : memref<80x128xi32, #tpu.memory_space<vmem>> -> memref<1x128xi32, #tpu.memory_space<vmem>>
        %dma_wait3A_73 = tpu.memref_squeeze %dma_wait3A_72 : memref<1x128xi32, #tpu.memory_space<vmem>> -> memref<128xi32, #tpu.memory_space<vmem>>
        %dma_wait3A_74 = arith.constant 0 : i32
        %dma_wait3A_75 = tpu.memref_slice %arg7[%dma_wait3A_74] : memref<10240xf32, #tpu.memory_space<vmem_shared>> -> memref<10240xf32, #tpu.memory_space<vmem_shared>>
        tpu.wait_indirect_dma semaphore(%run_scoped3A : memref<!tpu.dma_semaphore, #tpu.memory_space<semaphore_mem>>) src(%arg5 : memref<128xf32, #tpu.memory_space<vmem>>) dst(%dma_wait3A_75 : memref<10240xf32, #tpu.memory_space<vmem_shared>>)
        tpu.yield
      }) : () -> ()
    }
    %scan3A_61 = arith.constant 80 : i32
    %barrier3A_62 = arith.constant 0 : index
    tpu.barrier barrier_id(%barrier3A_62)
    %mul3A_63 = arith.constant 640 : i32
    %mul3A_64 = arith.muli %arg1, %mul3A_63 : i32
    %mul3A_65 = arith.constant 640 : i32
    %mul3A_66 = arith.muli %arg1, %mul3A_65 : i32
    "tpu.region"() ({
      %run_scoped3A = tpu.sem_alloc : memref<!tpu.dma_semaphore, #tpu.memory_space<semaphore_mem>>
      %dma_start3A = tpu.memref_slice %arg3[%arg0, %mul3A_66] : memref<2x10240xf32, #tpu.memory_space<hbm>> -> memref<1x640xf32, #tpu.memory_space<hbm>>
      %dma_start3A_67 = tpu.memref_squeeze %dma_start3A : memref<1x640xf32, #tpu.memory_space<hbm>> -> memref<640xf32, #tpu.memory_space<hbm>>
      %dma_start3A_68 = tpu.memref_slice %arg7[%mul3A_64] : memref<10240xf32, #tpu.memory_space<vmem_shared>> -> memref<640xf32, #tpu.memory_space<vmem_shared>>
      tpu.enqueue_dma source(%dma_start3A_68 : memref<640xf32, #tpu.memory_space<vmem_shared>>) target(%dma_start3A_67 : memref<640xf32, #tpu.memory_space<hbm>>) target_semaphore(%run_scoped3A : memref<!tpu.dma_semaphore, #tpu.memory_space<semaphore_mem>>)
      %dma_wait3A = tpu.memref_slice %arg3[%arg0, %mul3A_66] : memref<2x10240xf32, #tpu.memory_space<hbm>> -> memref<1x640xf32, #tpu.memory_space<hbm>>
      %dma_wait3A_69 = tpu.memref_squeeze %dma_wait3A : memref<1x640xf32, #tpu.memory_space<hbm>> -> memref<640xf32, #tpu.memory_space<hbm>>
      %dma_wait3A_70 = tpu.memref_slice %arg7[%mul3A_64] : memref<10240xf32, #tpu.memory_space<vmem_shared>> -> memref<640xf32, #tpu.memory_space<vmem_shared>>
      tpu.wait_dma2 semaphore(%run_scoped3A : memref<!tpu.dma_semaphore, #tpu.memory_space<semaphore_mem>>) src(%dma_wait3A_70 : memref<640xf32, #tpu.memory_space<vmem_shared>>) dst(%dma_wait3A_69 : memref<640xf32, #tpu.memory_space<hbm>>)
      tpu.yield
    }) : () -> ()
    return
  }
}

#map = affine_map<(d0, d1) -> (0, 0)>
#map1 = affine_map<(d0, d1) -> (0, 0, 0)>
module attributes {stable_mosaic.version = 14 : i64} {
  func.func @_sc_agg64(%arg0: i32, %arg1: i32, %arg2: memref<10048x64xf32, #tpu.memory_space<hbm>>, %arg3: memref<2560x128xi32, #tpu.memory_space<hbm>>, %arg4: memref<2560x128xi32, #tpu.memory_space<hbm>>, %arg5: memref<2x10240x64xf32, #tpu.memory_space<hbm>>, %arg6: memref<80x128xi32, #tpu.memory_space<vmem>>, %arg7: memref<80x128xi32, #tpu.memory_space<vmem>>, %arg8: memref<128x64xf32, #tpu.memory_space<vmem>>, %arg9: memref<128x64xf32, #tpu.memory_space<vmem>>, %arg10: memref<10240x64xf32, #tpu.memory_space<vmem_shared>>, %arg11: memref<!tpu.dma_semaphore, #tpu.memory_space<semaphore_mem>>, %arg12: memref<!tpu.dma_semaphore, #tpu.memory_space<semaphore_mem>>) attributes {dimension_semantics = [#tpu.dimension_semantics<core_parallel>, #tpu.dimension_semantics<subcore_parallel>], iteration_bounds = array<i64: 2, 16>, scalar_prefetch = 0 : i64, scratch_operands = 7 : i64, tpu.core_type = #tpu.core_type<sc_vector_subcore>, window_params = [{transform_indices = #map}, {transform_indices = #map}, {transform_indices = #map}, {transform_indices = #map1}]} {
    %mul3A = arith.constant 2 : i32
    %mul3A_0 = arith.muli %arg1, %mul3A : i32
    %add3A = arith.addi %mul3A_0, %arg0 : i32
    %mul3A_1 = arith.constant 80 : i32
    %mul3A_2 = arith.muli %add3A, %mul3A_1 : i32
    "tpu.region"() ({
      %run_scoped3A = tpu.sem_alloc : memref<!tpu.dma_semaphore, #tpu.memory_space<semaphore_mem>>
      %dma_start3A_54 = arith.constant 0 : i32
      %dma_start3A_55 = tpu.memref_slice %arg3[%mul3A_2, %dma_start3A_54] : memref<2560x128xi32, #tpu.memory_space<hbm>> -> memref<80x128xi32, #tpu.memory_space<hbm>>
      %dma_start3A_56 = arith.constant 0 : i32
      %dma_start3A_57 = tpu.memref_slice %arg3[%mul3A_2, %dma_start3A_56] : memref<2560x128xi32, #tpu.memory_space<hbm>> -> memref<80x128xi32, #tpu.memory_space<hbm>>
      tpu.enqueue_dma source(%dma_start3A_57 : memref<80x128xi32, #tpu.memory_space<hbm>>) target(%arg6 : memref<80x128xi32, #tpu.memory_space<vmem>>) target_semaphore(%run_scoped3A : memref<!tpu.dma_semaphore, #tpu.memory_space<semaphore_mem>>)
      %dma_wait3A = arith.constant 0 : i32
      %dma_wait3A_58 = tpu.memref_slice %arg3[%mul3A_2, %dma_wait3A] : memref<2560x128xi32, #tpu.memory_space<hbm>> -> memref<80x128xi32, #tpu.memory_space<hbm>>
      %dma_wait3A_59 = arith.constant 0 : i32
      %dma_wait3A_60 = tpu.memref_slice %arg3[%mul3A_2, %dma_wait3A_59] : memref<2560x128xi32, #tpu.memory_space<hbm>> -> memref<80x128xi32, #tpu.memory_space<hbm>>
      tpu.wait_dma2 semaphore(%run_scoped3A : memref<!tpu.dma_semaphore, #tpu.memory_space<semaphore_mem>>) src(%dma_wait3A_60 : memref<80x128xi32, #tpu.memory_space<hbm>>) dst(%arg6 : memref<80x128xi32, #tpu.memory_space<vmem>>)
      tpu.yield
    }) : () -> ()
    %mul3A_3 = arith.constant 80 : i32
    %mul3A_4 = arith.muli %add3A, %mul3A_3 : i32
    "tpu.region"() ({
      %run_scoped3A = tpu.sem_alloc : memref<!tpu.dma_semaphore, #tpu.memory_space<semaphore_mem>>
      %dma_start3A_54 = arith.constant 0 : i32
      %dma_start3A_55 = tpu.memref_slice %arg4[%mul3A_4, %dma_start3A_54] : memref<2560x128xi32, #tpu.memory_space<hbm>> -> memref<80x128xi32, #tpu.memory_space<hbm>>
      %dma_start3A_56 = arith.constant 0 : i32
      %dma_start3A_57 = tpu.memref_slice %arg4[%mul3A_4, %dma_start3A_56] : memref<2560x128xi32, #tpu.memory_space<hbm>> -> memref<80x128xi32, #tpu.memory_space<hbm>>
      tpu.enqueue_dma source(%dma_start3A_57 : memref<80x128xi32, #tpu.memory_space<hbm>>) target(%arg7 : memref<80x128xi32, #tpu.memory_space<vmem>>) target_semaphore(%run_scoped3A : memref<!tpu.dma_semaphore, #tpu.memory_space<semaphore_mem>>)
      %dma_wait3A = arith.constant 0 : i32
      %dma_wait3A_58 = tpu.memref_slice %arg4[%mul3A_4, %dma_wait3A] : memref<2560x128xi32, #tpu.memory_space<hbm>> -> memref<80x128xi32, #tpu.memory_space<hbm>>
      %dma_wait3A_59 = arith.constant 0 : i32
      %dma_wait3A_60 = tpu.memref_slice %arg4[%mul3A_4, %dma_wait3A_59] : memref<2560x128xi32, #tpu.memory_space<hbm>> -> memref<80x128xi32, #tpu.memory_space<hbm>>
      tpu.wait_dma2 semaphore(%run_scoped3A : memref<!tpu.dma_semaphore, #tpu.memory_space<semaphore_mem>>) src(%dma_wait3A_60 : memref<80x128xi32, #tpu.memory_space<hbm>>) dst(%arg7 : memref<80x128xi32, #tpu.memory_space<vmem>>)
      tpu.yield
    }) : () -> ()
    %scan3A = arith.constant 0 : i32
    %scan3A_5 = arith.constant 0 : i32
    %scan3A_6 = arith.constant 512 : i32
    %scan3A_7 = arith.addi %scan3A_5, %scan3A_6 : i32
    %scan3A_8 = arith.constant 1 : i32
    scf.for %scan3A_54 = %scan3A_5 to %scan3A_7 step %scan3A_8  : i32 {
      %jit3A = arith.constant 4 : i32
      %div3A = arith.divsi %scan3A_54, %jit3A : i32
      %sign3A = arith.constant 0 : i32
      %sign3A_55 = arith.cmpi sgt, %scan3A_54, %sign3A : i32
      %sign3A_56 = arith.extui %sign3A_55 : i1 to i32
      %sign3A_57 = arith.constant 0 : i32
      %sign3A_58 = arith.cmpi slt, %scan3A_54, %sign3A_57 : i32
      %sign3A_59 = arith.extui %sign3A_58 : i1 to i32
      %sign3A_60 = arith.subi %sign3A_56, %sign3A_59 : i32
      %sign3A_61 = arith.constant 0 : i32
      %sign3A_62 = arith.cmpi sgt, %jit3A, %sign3A_61 : i32
      %sign3A_63 = arith.extui %sign3A_62 : i1 to i32
      %sign3A_64 = arith.constant 0 : i32
      %sign3A_65 = arith.cmpi slt, %jit3A, %sign3A_64 : i32
      %sign3A_66 = arith.extui %sign3A_65 : i1 to i32
      %sign3A_67 = arith.subi %sign3A_63, %sign3A_66 : i32
      %ne3A = arith.cmpi ne, %sign3A_60, %sign3A_67 : i32
      %rem3A = arith.remsi %scan3A_54, %jit3A : i32
      %ne3A_68 = arith.constant 0 : i32
      %ne3A_69 = arith.cmpi ne, %rem3A, %ne3A_68 : i32
      %and3A = arith.andi %ne3A, %ne3A_69 : i1
      %sub3A = arith.constant 1 : i32
      %sub3A_70 = arith.subi %div3A, %sub3A : i32
      %select_n3A = arith.select %and3A, %sub3A_70, %div3A : i32
      %jit3A_71 = arith.constant 4 : i32
      %eq3A = arith.constant 0 : i32
      %eq3A_72 = arith.cmpi eq, %jit3A_71, %eq3A : i32
      %jit3A_73 = arith.constant 1 : i32
      %select_n3A_74 = arith.select %eq3A_72, %jit3A_73, %jit3A_71 : i32
      %rem3A_75 = arith.remsi %scan3A_54, %select_n3A_74 : i32
      %ne3A_76 = arith.constant 0 : i32
      %ne3A_77 = arith.cmpi ne, %rem3A_75, %ne3A_76 : i32
      %lt3A = arith.constant 0 : i32
      %lt3A_78 = arith.cmpi slt, %rem3A_75, %lt3A : i32
      %lt3A_79 = arith.constant 0 : i32
      %lt3A_80 = arith.cmpi slt, %select_n3A_74, %lt3A_79 : i32
      %ne3A_81 = arith.xori %lt3A_78, %lt3A_80 : i1
      %and3A_82 = arith.andi %ne3A_81, %ne3A_77 : i1
      %add3A_83 = arith.addi %rem3A_75, %select_n3A_74 : i32
      %select_n3A_84 = arith.select %and3A_82, %add3A_83, %rem3A_75 : i32
      %broadcast_in_dim3A = arith.constant 0.000000e+00 : f32
      %broadcast_in_dim3A_85 = vector.broadcast %broadcast_in_dim3A : f32 to vector<16xf32>
      %mul3A_86 = arith.constant 16 : i32
      %mul3A_87 = arith.muli %select_n3A_84, %mul3A_86 : i32
      %swap3A = arith.index_cast %select_n3A : i32 to index
      %swap3A_88 = arith.index_cast %mul3A_87 : i32 to index
      %swap3A_89 = tpu.vector_load %arg8[%swap3A, %swap3A_88] {strides = array<i32>} : memref<128x64xf32, #tpu.memory_space<vmem>>, vector<1x16xf32>,
      %swap3A_90 = vector.shape_cast %swap3A_89 : vector<1x16xf32> to vector<16xf32>
      %swap3A_91 = vector.shape_cast %broadcast_in_dim3A_85 : vector<16xf32> to vector<1x16xf32>
      tpu.vector_store %arg8[%swap3A, %swap3A_88], %swap3A_91 {strides = array<i32>} : memref<128x64xf32, #tpu.memory_space<vmem>>, vector<1x16xf32>,
    }
    %scan3A_9 = arith.constant 512 : i32
    %mul3A_10 = arith.constant 640 : i32
    %mul3A_11 = arith.muli %arg1, %mul3A_10 : i32
    %add3A_12 = arith.constant 0 : i32
    %add3A_13 = arith.addi %mul3A_11, %add3A_12 : i32
    "tpu.region"() ({
      %run_scoped3A = tpu.sem_alloc : memref<!tpu.dma_semaphore, #tpu.memory_space<semaphore_mem>>
      %dma_start3A_54 = arith.constant 0 : i32
      %dma_start3A_55 = tpu.memref_slice %arg10[%add3A_13, %dma_start3A_54] : memref<10240x64xf32, #tpu.memory_space<vmem_shared>> -> memref<128x64xf32, #tpu.memory_space<vmem_shared>>
      %dma_start3A_56 = arith.constant 0 : i32
      %dma_start3A_57 = tpu.memref_slice %arg10[%add3A_13, %dma_start3A_56] : memref<10240x64xf32, #tpu.memory_space<vmem_shared>> -> memref<128x64xf32, #tpu.memory_space<vmem_shared>>
      tpu.enqueue_dma source(%arg8 : memref<128x64xf32, #tpu.memory_space<vmem>>) target(%dma_start3A_57 : memref<128x64xf32, #tpu.memory_space<vmem_shared>>) target_semaphore(%run_scoped3A : memref<!tpu.dma_semaphore, #tpu.memory_space<semaphore_mem>>)
      %dma_wait3A = arith.constant 0 : i32
      %dma_wait3A_58 = tpu.memref_slice %arg10[%add3A_13, %dma_wait3A] : memref<10240x64xf32, #tpu.memory_space<vmem_shared>> -> memref<128x64xf32, #tpu.memory_space<vmem_shared>>
      %dma_wait3A_59 = arith.constant 0 : i32
      %dma_wait3A_60 = tpu.memref_slice %arg10[%add3A_13, %dma_wait3A_59] : memref<10240x64xf32, #tpu.memory_space<vmem_shared>> -> memref<128x64xf32, #tpu.memory_space<vmem_shared>>
      tpu.wait_dma2 semaphore(%run_scoped3A : memref<!tpu.dma_semaphore, #tpu.memory_space<semaphore_mem>>) src(%arg8 : memref<128x64xf32, #tpu.memory_space<vmem>>) dst(%dma_wait3A_60 : memref<128x64xf32, #tpu.memory_space<vmem_shared>>)
      tpu.yield
    }) : () -> ()
    %mul3A_14 = arith.constant 640 : i32
    %mul3A_15 = arith.muli %arg1, %mul3A_14 : i32
    %add3A_16 = arith.constant 128 : i32
    %add3A_17 = arith.addi %mul3A_15, %add3A_16 : i32
    "tpu.region"() ({
      %run_scoped3A = tpu.sem_alloc : memref<!tpu.dma_semaphore, #tpu.memory_space<semaphore_mem>>
      %dma_start3A_54 = arith.constant 0 : i32
      %dma_start3A_55 = tpu.memref_slice %arg10[%add3A_17, %dma_start3A_54] : memref<10240x64xf32, #tpu.memory_space<vmem_shared>> -> memref<128x64xf32, #tpu.memory_space<vmem_shared>>
      %dma_start3A_56 = arith.constant 0 : i32
      %dma_start3A_57 = tpu.memref_slice %arg10[%add3A_17, %dma_start3A_56] : memref<10240x64xf32, #tpu.memory_space<vmem_shared>> -> memref<128x64xf32, #tpu.memory_space<vmem_shared>>
      tpu.enqueue_dma source(%arg8 : memref<128x64xf32, #tpu.memory_space<vmem>>) target(%dma_start3A_57 : memref<128x64xf32, #tpu.memory_space<vmem_shared>>) target_semaphore(%run_scoped3A : memref<!tpu.dma_semaphore, #tpu.memory_space<semaphore_mem>>)
      %dma_wait3A = arith.constant 0 : i32
      %dma_wait3A_58 = tpu.memref_slice %arg10[%add3A_17, %dma_wait3A] : memref<10240x64xf32, #tpu.memory_space<vmem_shared>> -> memref<128x64xf32, #tpu.memory_space<vmem_shared>>
      %dma_wait3A_59 = arith.constant 0 : i32
      %dma_wait3A_60 = tpu.memref_slice %arg10[%add3A_17, %dma_wait3A_59] : memref<10240x64xf32, #tpu.memory_space<vmem_shared>> -> memref<128x64xf32, #tpu.memory_space<vmem_shared>>
      tpu.wait_dma2 semaphore(%run_scoped3A : memref<!tpu.dma_semaphore, #tpu.memory_space<semaphore_mem>>) src(%arg8 : memref<128x64xf32, #tpu.memory_space<vmem>>) dst(%dma_wait3A_60 : memref<128x64xf32, #tpu.memory_space<vmem_shared>>)
      tpu.yield
    }) : () -> ()
    %mul3A_18 = arith.constant 640 : i32
    %mul3A_19 = arith.muli %arg1, %mul3A_18 : i32
    %add3A_20 = arith.constant 256 : i32
    %add3A_21 = arith.addi %mul3A_19, %add3A_20 : i32
    "tpu.region"() ({
      %run_scoped3A = tpu.sem_alloc : memref<!tpu.dma_semaphore, #tpu.memory_space<semaphore_mem>>
      %dma_start3A_54 = arith.constant 0 : i32
      %dma_start3A_55 = tpu.memref_slice %arg10[%add3A_21, %dma_start3A_54] : memref<10240x64xf32, #tpu.memory_space<vmem_shared>> -> memref<128x64xf32, #tpu.memory_space<vmem_shared>>
      %dma_start3A_56 = arith.constant 0 : i32
      %dma_start3A_57 = tpu.memref_slice %arg10[%add3A_21, %dma_start3A_56] : memref<10240x64xf32, #tpu.memory_space<vmem_shared>> -> memref<128x64xf32, #tpu.memory_space<vmem_shared>>
      tpu.enqueue_dma source(%arg8 : memref<128x64xf32, #tpu.memory_space<vmem>>) target(%dma_start3A_57 : memref<128x64xf32, #tpu.memory_space<vmem_shared>>) target_semaphore(%run_scoped3A : memref<!tpu.dma_semaphore, #tpu.memory_space<semaphore_mem>>)
      %dma_wait3A = arith.constant 0 : i32
      %dma_wait3A_58 = tpu.memref_slice %arg10[%add3A_21, %dma_wait3A] : memref<10240x64xf32, #tpu.memory_space<vmem_shared>> -> memref<128x64xf32, #tpu.memory_space<vmem_shared>>
      %dma_wait3A_59 = arith.constant 0 : i32
      %dma_wait3A_60 = tpu.memref_slice %arg10[%add3A_21, %dma_wait3A_59] : memref<10240x64xf32, #tpu.memory_space<vmem_shared>> -> memref<128x64xf32, #tpu.memory_space<vmem_shared>>
      tpu.wait_dma2 semaphore(%run_scoped3A : memref<!tpu.dma_semaphore, #tpu.memory_space<semaphore_mem>>) src(%arg8 : memref<128x64xf32, #tpu.memory_space<vmem>>) dst(%dma_wait3A_60 : memref<128x64xf32, #tpu.memory_space<vmem_shared>>)
      tpu.yield
    }) : () -> ()
    %mul3A_22 = arith.constant 640 : i32
    %mul3A_23 = arith.muli %arg1, %mul3A_22 : i32
    %add3A_24 = arith.constant 384 : i32
    %add3A_25 = arith.addi %mul3A_23, %add3A_24 : i32
    "tpu.region"() ({
      %run_scoped3A = tpu.sem_alloc : memref<!tpu.dma_semaphore, #tpu.memory_space<semaphore_mem>>
      %dma_start3A_54 = arith.constant 0 : i32
      %dma_start3A_55 = tpu.memref_slice %arg10[%add3A_25, %dma_start3A_54] : memref<10240x64xf32, #tpu.memory_space<vmem_shared>> -> memref<128x64xf32, #tpu.memory_space<vmem_shared>>
      %dma_start3A_56 = arith.constant 0 : i32
      %dma_start3A_57 = tpu.memref_slice %arg10[%add3A_25, %dma_start3A_56] : memref<10240x64xf32, #tpu.memory_space<vmem_shared>> -> memref<128x64xf32, #tpu.memory_space<vmem_shared>>
      tpu.enqueue_dma source(%arg8 : memref<128x64xf32, #tpu.memory_space<vmem>>) target(%dma_start3A_57 : memref<128x64xf32, #tpu.memory_space<vmem_shared>>) target_semaphore(%run_scoped3A : memref<!tpu.dma_semaphore, #tpu.memory_space<semaphore_mem>>)
      %dma_wait3A = arith.constant 0 : i32
      %dma_wait3A_58 = tpu.memref_slice %arg10[%add3A_25, %dma_wait3A] : memref<10240x64xf32, #tpu.memory_space<vmem_shared>> -> memref<128x64xf32, #tpu.memory_space<vmem_shared>>
      %dma_wait3A_59 = arith.constant 0 : i32
      %dma_wait3A_60 = tpu.memref_slice %arg10[%add3A_25, %dma_wait3A_59] : memref<10240x64xf32, #tpu.memory_space<vmem_shared>> -> memref<128x64xf32, #tpu.memory_space<vmem_shared>>
      tpu.wait_dma2 semaphore(%run_scoped3A : memref<!tpu.dma_semaphore, #tpu.memory_space<semaphore_mem>>) src(%arg8 : memref<128x64xf32, #tpu.memory_space<vmem>>) dst(%dma_wait3A_60 : memref<128x64xf32, #tpu.memory_space<vmem_shared>>)
      tpu.yield
    }) : () -> ()
    %mul3A_26 = arith.constant 640 : i32
    %mul3A_27 = arith.muli %arg1, %mul3A_26 : i32
    %add3A_28 = arith.constant 512 : i32
    %add3A_29 = arith.addi %mul3A_27, %add3A_28 : i32
    "tpu.region"() ({
      %run_scoped3A = tpu.sem_alloc : memref<!tpu.dma_semaphore, #tpu.memory_space<semaphore_mem>>
      %dma_start3A_54 = arith.constant 0 : i32
      %dma_start3A_55 = tpu.memref_slice %arg10[%add3A_29, %dma_start3A_54] : memref<10240x64xf32, #tpu.memory_space<vmem_shared>> -> memref<128x64xf32, #tpu.memory_space<vmem_shared>>
      %dma_start3A_56 = arith.constant 0 : i32
      %dma_start3A_57 = tpu.memref_slice %arg10[%add3A_29, %dma_start3A_56] : memref<10240x64xf32, #tpu.memory_space<vmem_shared>> -> memref<128x64xf32, #tpu.memory_space<vmem_shared>>
      tpu.enqueue_dma source(%arg8 : memref<128x64xf32, #tpu.memory_space<vmem>>) target(%dma_start3A_57 : memref<128x64xf32, #tpu.memory_space<vmem_shared>>) target_semaphore(%run_scoped3A : memref<!tpu.dma_semaphore, #tpu.memory_space<semaphore_mem>>)
      %dma_wait3A = arith.constant 0 : i32
      %dma_wait3A_58 = tpu.memref_slice %arg10[%add3A_29, %dma_wait3A] : memref<10240x64xf32, #tpu.memory_space<vmem_shared>> -> memref<128x64xf32, #tpu.memory_space<vmem_shared>>
      %dma_wait3A_59 = arith.constant 0 : i32
      %dma_wait3A_60 = tpu.memref_slice %arg10[%add3A_29, %dma_wait3A_59] : memref<10240x64xf32, #tpu.memory_space<vmem_shared>> -> memref<128x64xf32, #tpu.memory_space<vmem_shared>>
      tpu.wait_dma2 semaphore(%run_scoped3A : memref<!tpu.dma_semaphore, #tpu.memory_space<semaphore_mem>>) src(%arg8 : memref<128x64xf32, #tpu.memory_space<vmem>>) dst(%dma_wait3A_60 : memref<128x64xf32, #tpu.memory_space<vmem_shared>>)
      tpu.yield
    }) : () -> ()
    %barrier3A = arith.constant 0 : index
    tpu.barrier barrier_id(%barrier3A)
    %dma_start3A = arith.constant 0 : i32
    %dma_start3A_30 = arith.constant 0 : i32
    %dma_start3A_31 = tpu.memref_slice %arg6[%dma_start3A, %dma_start3A_30] : memref<80x128xi32, #tpu.memory_space<vmem>> -> memref<1x128xi32, #tpu.memory_space<vmem>>
    %dma_start3A_32 = tpu.memref_squeeze %dma_start3A_31 : memref<1x128xi32, #tpu.memory_space<vmem>> -> memref<128xi32, #tpu.memory_space<vmem>>
    %dma_start3A_33 = arith.constant 0 : i32
    %dma_start3A_34 = arith.constant 0 : i32
    %dma_start3A_35 = tpu.memref_slice %arg2[%dma_start3A_33, %dma_start3A_34] : memref<10048x64xf32, #tpu.memory_space<hbm>> -> memref<10048x64xf32, #tpu.memory_space<hbm>>
    tpu.enqueue_indirect_dma source(%dma_start3A_35 : memref<10048x64xf32, #tpu.memory_space<hbm>>) target(%arg8 : memref<128x64xf32, #tpu.memory_space<vmem>>) offsets(%dma_start3A_32 : memref<128xi32, #tpu.memory_space<vmem>>) semaphore(%arg11 : memref<!tpu.dma_semaphore, #tpu.memory_space<semaphore_mem>>)
    %dma_start3A_36 = arith.constant 1 : i32
    %dma_start3A_37 = arith.constant 0 : i32
    %dma_start3A_38 = tpu.memref_slice %arg6[%dma_start3A_36, %dma_start3A_37] : memref<80x128xi32, #tpu.memory_space<vmem>> -> memref<1x128xi32, #tpu.memory_space<vmem>>
    %dma_start3A_39 = tpu.memref_squeeze %dma_start3A_38 : memref<1x128xi32, #tpu.memory_space<vmem>> -> memref<128xi32, #tpu.memory_space<vmem>>
    %dma_start3A_40 = arith.constant 0 : i32
    %dma_start3A_41 = arith.constant 0 : i32
    %dma_start3A_42 = tpu.memref_slice %arg2[%dma_start3A_40, %dma_start3A_41] : memref<10048x64xf32, #tpu.memory_space<hbm>> -> memref<10048x64xf32, #tpu.memory_space<hbm>>
    tpu.enqueue_indirect_dma source(%dma_start3A_42 : memref<10048x64xf32, #tpu.memory_space<hbm>>) target(%arg9 : memref<128x64xf32, #tpu.memory_space<vmem>>) offsets(%dma_start3A_39 : memref<128xi32, #tpu.memory_space<vmem>>) semaphore(%arg12 : memref<!tpu.dma_semaphore, #tpu.memory_space<semaphore_mem>>)
    %scan3A_43 = arith.constant 0 : i32
    %scan3A_44 = arith.constant 0 : i32
    %scan3A_45 = arith.constant 40 : i32
    %scan3A_46 = arith.addi %scan3A_44, %scan3A_45 : i32
    %scan3A_47 = arith.constant 1 : i32
    scf.for %scan3A_54 = %scan3A_44 to %scan3A_46 step %scan3A_47  : i32 {
      %mul3A_55 = arith.constant 2 : i32
      %mul3A_56 = arith.muli %mul3A_55, %scan3A_54 : i32
      %add3A_57 = arith.constant 1 : i32
      %add3A_58 = arith.addi %mul3A_56, %add3A_57 : i32
      tpu.wait_dma2 semaphore(%arg11 : memref<!tpu.dma_semaphore, #tpu.memory_space<semaphore_mem>>) src(%arg2 : memref<10048x64xf32, #tpu.memory_space<hbm>>) dst(%arg8 : memref<128x64xf32, #tpu.memory_space<vmem>>)
      "tpu.region"() ({
        %run_scoped3A = tpu.sem_alloc : memref<!tpu.dma_semaphore, #tpu.memory_space<semaphore_mem>>
        %dma_start3A_70 = arith.constant 0 : i32
        %dma_start3A_71 = tpu.memref_slice %arg7[%mul3A_56, %dma_start3A_70] : memref<80x128xi32, #tpu.memory_space<vmem>> -> memref<1x128xi32, #tpu.memory_space<vmem>>
        %dma_start3A_72 = tpu.memref_squeeze %dma_start3A_71 : memref<1x128xi32, #tpu.memory_space<vmem>> -> memref<128xi32, #tpu.memory_space<vmem>>
        %dma_start3A_73 = arith.constant 0 : i32
        %dma_start3A_74 = arith.constant 0 : i32
        %dma_start3A_75 = tpu.memref_slice %arg10[%dma_start3A_73, %dma_start3A_74] : memref<10240x64xf32, #tpu.memory_space<vmem_shared>> -> memref<10240x64xf32, #tpu.memory_space<vmem_shared>>
        tpu.enqueue_indirect_dma source(%arg8 : memref<128x64xf32, #tpu.memory_space<vmem>>) target(%dma_start3A_75 : memref<10240x64xf32, #tpu.memory_space<vmem_shared>>) offsets(%dma_start3A_72 : memref<128xi32, #tpu.memory_space<vmem>>) semaphore(%run_scoped3A : memref<!tpu.dma_semaphore, #tpu.memory_space<semaphore_mem>>) {add = true}
        %dma_wait3A = arith.constant 0 : i32
        %dma_wait3A_76 = tpu.memref_slice %arg7[%mul3A_56, %dma_wait3A] : memref<80x128xi32, #tpu.memory_space<vmem>> -> memref<1x128xi32, #tpu.memory_space<vmem>>
        %dma_wait3A_77 = tpu.memref_squeeze %dma_wait3A_76 : memref<1x128xi32, #tpu.memory_space<vmem>> -> memref<128xi32, #tpu.memory_space<vmem>>
        %dma_wait3A_78 = arith.constant 0 : i32
        %dma_wait3A_79 = arith.constant 0 : i32
        %dma_wait3A_80 = tpu.memref_slice %arg10[%dma_wait3A_78, %dma_wait3A_79] : memref<10240x64xf32, #tpu.memory_space<vmem_shared>> -> memref<10240x64xf32, #tpu.memory_space<vmem_shared>>
        tpu.wait_indirect_dma semaphore(%run_scoped3A : memref<!tpu.dma_semaphore, #tpu.memory_space<semaphore_mem>>) src(%arg8 : memref<128x64xf32, #tpu.memory_space<vmem>>) dst(%dma_wait3A_80 : memref<10240x64xf32, #tpu.memory_space<vmem_shared>>)
        tpu.yield
      }) : () -> ()
      %add3A_59 = arith.constant 2 : i32
      %add3A_60 = arith.addi %mul3A_56, %add3A_59 : i32
      %lt3A = arith.constant 80 : i32
      %lt3A_61 = arith.cmpi slt, %add3A_60, %lt3A : i32
      %convert_element_type3A = arith.extui %lt3A_61 : i1 to i32
      %cond3A = arith.constant 0 : i32
      %cond3A_62 = arith.cmpi ne, %convert_element_type3A, %cond3A : i32
      scf.if %cond3A_62 {
        %add3A_70 = arith.constant 2 : i32
        %add3A_71 = arith.addi %mul3A_56, %add3A_70 : i32
        %dma_start3A_72 = arith.constant 0 : i32
        %dma_start3A_73 = tpu.memref_slice %arg6[%add3A_71, %dma_start3A_72] : memref<80x128xi32, #tpu.memory_space<vmem>> -> memref<1x128xi32, #tpu.memory_space<vmem>>
        %dma_start3A_74 = tpu.memref_squeeze %dma_start3A_73 : memref<1x128xi32, #tpu.memory_space<vmem>> -> memref<128xi32, #tpu.memory_space<vmem>>
        %dma_start3A_75 = arith.constant 0 : i32
        %dma_start3A_76 = arith.constant 0 : i32
        %dma_start3A_77 = tpu.memref_slice %arg2[%dma_start3A_75, %dma_start3A_76] : memref<10048x64xf32, #tpu.memory_space<hbm>> -> memref<10048x64xf32, #tpu.memory_space<hbm>>
        tpu.enqueue_indirect_dma source(%dma_start3A_77 : memref<10048x64xf32, #tpu.memory_space<hbm>>) target(%arg8 : memref<128x64xf32, #tpu.memory_space<vmem>>) offsets(%dma_start3A_74 : memref<128xi32, #tpu.memory_space<vmem>>) semaphore(%arg11 : memref<!tpu.dma_semaphore, #tpu.memory_space<semaphore_mem>>)
      } else {
      }
      tpu.wait_dma2 semaphore(%arg12 : memref<!tpu.dma_semaphore, #tpu.memory_space<semaphore_mem>>) src(%arg2 : memref<10048x64xf32, #tpu.memory_space<hbm>>) dst(%arg9 : memref<128x64xf32, #tpu.memory_space<vmem>>)
      "tpu.region"() ({
        %run_scoped3A = tpu.sem_alloc : memref<!tpu.dma_semaphore, #tpu.memory_space<semaphore_mem>>
        %dma_start3A_70 = arith.constant 0 : i32
        %dma_start3A_71 = tpu.memref_slice %arg7[%add3A_58, %dma_start3A_70] : memref<80x128xi32, #tpu.memory_space<vmem>> -> memref<1x128xi32, #tpu.memory_space<vmem>>
        %dma_start3A_72 = tpu.memref_squeeze %dma_start3A_71 : memref<1x128xi32, #tpu.memory_space<vmem>> -> memref<128xi32, #tpu.memory_space<vmem>>
        %dma_start3A_73 = arith.constant 0 : i32
        %dma_start3A_74 = arith.constant 0 : i32
        %dma_start3A_75 = tpu.memref_slice %arg10[%dma_start3A_73, %dma_start3A_74] : memref<10240x64xf32, #tpu.memory_space<vmem_shared>> -> memref<10240x64xf32, #tpu.memory_space<vmem_shared>>
        tpu.enqueue_indirect_dma source(%arg9 : memref<128x64xf32, #tpu.memory_space<vmem>>) target(%dma_start3A_75 : memref<10240x64xf32, #tpu.memory_space<vmem_shared>>) offsets(%dma_start3A_72 : memref<128xi32, #tpu.memory_space<vmem>>) semaphore(%run_scoped3A : memref<!tpu.dma_semaphore, #tpu.memory_space<semaphore_mem>>) {add = true}
        %dma_wait3A = arith.constant 0 : i32
        %dma_wait3A_76 = tpu.memref_slice %arg7[%add3A_58, %dma_wait3A] : memref<80x128xi32, #tpu.memory_space<vmem>> -> memref<1x128xi32, #tpu.memory_space<vmem>>
        %dma_wait3A_77 = tpu.memref_squeeze %dma_wait3A_76 : memref<1x128xi32, #tpu.memory_space<vmem>> -> memref<128xi32, #tpu.memory_space<vmem>>
        %dma_wait3A_78 = arith.constant 0 : i32
        %dma_wait3A_79 = arith.constant 0 : i32
        %dma_wait3A_80 = tpu.memref_slice %arg10[%dma_wait3A_78, %dma_wait3A_79] : memref<10240x64xf32, #tpu.memory_space<vmem_shared>> -> memref<10240x64xf32, #tpu.memory_space<vmem_shared>>
        tpu.wait_indirect_dma semaphore(%run_scoped3A : memref<!tpu.dma_semaphore, #tpu.memory_space<semaphore_mem>>) src(%arg9 : memref<128x64xf32, #tpu.memory_space<vmem>>) dst(%dma_wait3A_80 : memref<10240x64xf32, #tpu.memory_space<vmem_shared>>)
        tpu.yield
      }) : () -> ()
      %add3A_63 = arith.constant 2 : i32
      %add3A_64 = arith.addi %add3A_58, %add3A_63 : i32
      %lt3A_65 = arith.constant 80 : i32
      %lt3A_66 = arith.cmpi slt, %add3A_64, %lt3A_65 : i32
      %convert_element_type3A_67 = arith.extui %lt3A_66 : i1 to i32
      %cond3A_68 = arith.constant 0 : i32
      %cond3A_69 = arith.cmpi ne, %convert_element_type3A_67, %cond3A_68 : i32
      scf.if %cond3A_69 {
        %add3A_70 = arith.constant 2 : i32
        %add3A_71 = arith.addi %add3A_58, %add3A_70 : i32
        %dma_start3A_72 = arith.constant 0 : i32
        %dma_start3A_73 = tpu.memref_slice %arg6[%add3A_71, %dma_start3A_72] : memref<80x128xi32, #tpu.memory_space<vmem>> -> memref<1x128xi32, #tpu.memory_space<vmem>>
        %dma_start3A_74 = tpu.memref_squeeze %dma_start3A_73 : memref<1x128xi32, #tpu.memory_space<vmem>> -> memref<128xi32, #tpu.memory_space<vmem>>
        %dma_start3A_75 = arith.constant 0 : i32
        %dma_start3A_76 = arith.constant 0 : i32
        %dma_start3A_77 = tpu.memref_slice %arg2[%dma_start3A_75, %dma_start3A_76] : memref<10048x64xf32, #tpu.memory_space<hbm>> -> memref<10048x64xf32, #tpu.memory_space<hbm>>
        tpu.enqueue_indirect_dma source(%dma_start3A_77 : memref<10048x64xf32, #tpu.memory_space<hbm>>) target(%arg9 : memref<128x64xf32, #tpu.memory_space<vmem>>) offsets(%dma_start3A_74 : memref<128xi32, #tpu.memory_space<vmem>>) semaphore(%arg12 : memref<!tpu.dma_semaphore, #tpu.memory_space<semaphore_mem>>)
      } else {
      }
    }
    %scan3A_48 = arith.constant 40 : i32
    %barrier3A_49 = arith.constant 0 : index
    tpu.barrier barrier_id(%barrier3A_49)
    %mul3A_50 = arith.constant 640 : i32
    %mul3A_51 = arith.muli %arg1, %mul3A_50 : i32
    %mul3A_52 = arith.constant 640 : i32
    %mul3A_53 = arith.muli %arg1, %mul3A_52 : i32
    "tpu.region"() ({
      %run_scoped3A = tpu.sem_alloc : memref<!tpu.dma_semaphore, #tpu.memory_space<semaphore_mem>>
      %dma_start3A_54 = arith.constant 0 : i32
      %dma_start3A_55 = tpu.memref_slice %arg5[%arg0, %mul3A_53, %dma_start3A_54] : memref<2x10240x64xf32, #tpu.memory_space<hbm>> -> memref<1x640x64xf32, #tpu.memory_space<hbm>>
      %dma_start3A_56 = tpu.memref_squeeze %dma_start3A_55 : memref<1x640x64xf32, #tpu.memory_space<hbm>> -> memref<640x64xf32, #tpu.memory_space<hbm>>
      %dma_start3A_57 = arith.constant 0 : i32
      %dma_start3A_58 = tpu.memref_slice %arg10[%mul3A_51, %dma_start3A_57] : memref<10240x64xf32, #tpu.memory_space<vmem_shared>> -> memref<640x64xf32, #tpu.memory_space<vmem_shared>>
      tpu.enqueue_dma source(%dma_start3A_58 : memref<640x64xf32, #tpu.memory_space<vmem_shared>>) target(%dma_start3A_56 : memref<640x64xf32, #tpu.memory_space<hbm>>) target_semaphore(%run_scoped3A : memref<!tpu.dma_semaphore, #tpu.memory_space<semaphore_mem>>)
      %dma_wait3A = arith.constant 0 : i32
      %dma_wait3A_59 = tpu.memref_slice %arg5[%arg0, %mul3A_53, %dma_wait3A] : memref<2x10240x64xf32, #tpu.memory_space<hbm>> -> memref<1x640x64xf32, #tpu.memory_space<hbm>>
      %dma_wait3A_60 = tpu.memref_squeeze %dma_wait3A_59 : memref<1x640x64xf32, #tpu.memory_space<hbm>> -> memref<640x64xf32, #tpu.memory_space<hbm>>
      %dma_wait3A_61 = arith.constant 0 : i32
      %dma_wait3A_62 = tpu.memref_slice %arg10[%mul3A_51, %dma_wait3A_61] : memref<10240x64xf32, #tpu.memory_space<vmem_shared>> -> memref<640x64xf32, #tpu.memory_space<vmem_shared>>
      tpu.wait_dma2 semaphore(%run_scoped3A : memref<!tpu.dma_semaphore, #tpu.memory_space<semaphore_mem>>) src(%dma_wait3A_62 : memref<640x64xf32, #tpu.memory_space<vmem_shared>>) dst(%dma_wait3A_60 : memref<640x64xf32, #tpu.memory_space<hbm>>)
      tpu.yield
    }) : () -> ()
    return
  }
}

module attributes {stable_mosaic.version = 14 : i64} {
  func.func @_tc_prescale_body(%arg0: memref<10000x128xf32, #tpu.memory_space<vmem>>, %arg1: memref<128x64xf32, #tpu.memory_space<vmem>>, %arg2: memref<2x10240x1xf32, #tpu.memory_space<vmem>>, %arg3: memref<10048x64xf32, #tpu.memory_space<vmem>>, %arg4: memref<10000x1xf32, #tpu.memory_space<vmem>>) attributes {dimension_semantics = [], scalar_prefetch = 0 : i64, scratch_operands = 0 : i64, tpu.core_type = #tpu.core_type<tc>} {
    %get3A = arith.constant 0 : index
    %get3A_0 = arith.constant 0 : index
    %get3A_1 = arith.constant 0 : index
    %get3A_2 = vector.load %arg2[%get3A, %get3A_0, %get3A_1] : memref<2x10240x1xf32, #tpu.memory_space<vmem>>, vector<1x10000x1xf32>
    %get3A_3 = vector.shape_cast %get3A_2 : vector<1x10000x1xf32> to vector<10000x1xf32>
    %get3A_4 = arith.constant 1 : index
    %get3A_5 = arith.constant 0 : index
    %get3A_6 = arith.constant 0 : index
    %get3A_7 = vector.load %arg2[%get3A_4, %get3A_5, %get3A_6] : memref<2x10240x1xf32, #tpu.memory_space<vmem>>, vector<1x10000x1xf32>
    %get3A_8 = vector.shape_cast %get3A_7 : vector<1x10000x1xf32> to vector<10000x1xf32>
    %add3A = arith.addf %get3A_3, %get3A_8 : vector<10000x1xf32>
    %add3A_9 = arith.constant 1.000000e+00 : f32
    %add3A_10 = vector.broadcast %add3A_9 : f32 to vector<10000x1xf32>
    %add3A_11 = arith.addf %add3A, %add3A_10 : vector<10000x1xf32>
    %rsqrt3A = math.rsqrt %add3A_11 : vector<10000x1xf32>
    %swap3A = arith.constant 0 : index
    %swap3A_12 = arith.constant 0 : index
    %swap3A_13 = vector.load %arg4[%swap3A, %swap3A_12] : memref<10000x1xf32, #tpu.memory_space<vmem>>, vector<10000x1xf32>
    tpu.vector_store %arg4[%swap3A, %swap3A_12], %rsqrt3A {strides = array<i32>} : memref<10000x1xf32, #tpu.memory_space<vmem>>, vector<10000x1xf32>,
    %get3A_14 = arith.constant 0 : index
    %get3A_15 = arith.constant 0 : index
    %get3A_16 = vector.load %arg0[%get3A_14, %get3A_15] : memref<10000x128xf32, #tpu.memory_space<vmem>>, vector<10000x128xf32>
    %get3A_17 = arith.constant 0 : index
    %get3A_18 = arith.constant 0 : index
    %get3A_19 = vector.load %arg1[%get3A_17, %get3A_18] : memref<128x64xf32, #tpu.memory_space<vmem>>, vector<128x64xf32>
    %dot_general3A = arith.constant dense<0.000000e+00> : vector<10000x64xf32>
    %dot_general3A_20 = tpu.matmul %get3A_16, %get3A_19, %dot_general3A {dimension_numbers = #tpu.dot_dimension_numbers<[1], [0], [0], [1], [0, 0, 1, 1], [], []>, transpose_lhs_hint = false} : vector<10000x128xf32>, vector<128x64xf32>, vector<10000x64xf32> -> vector<10000x64xf32>
    %mul3A = vector.broadcast %rsqrt3A : vector<10000x1xf32> to vector<10000x64xf32>
    %mul3A_21 = arith.mulf %dot_general3A_20, %mul3A : vector<10000x64xf32>
    %swap3A_22 = arith.constant 0 : index
    %swap3A_23 = arith.constant 0 : index
    %swap3A_24 = vector.load %arg3[%swap3A_22, %swap3A_23] : memref<10048x64xf32, #tpu.memory_space<vmem>>, vector<10000x64xf32>
    tpu.vector_store %arg3[%swap3A_22, %swap3A_23], %mul3A_21 {strides = array<i32>} : memref<10048x64xf32, #tpu.memory_space<vmem>>, vector<10000x64xf32>,
    %broadcast_in_dim3A = arith.constant 0.000000e+00 : f32
    %broadcast_in_dim3A_25 = vector.broadcast %broadcast_in_dim3A : f32 to vector<48x64xf32>
    %swap3A_26 = arith.constant 10000 : index
    %swap3A_27 = arith.constant 0 : index
    %swap3A_28 = vector.load %arg3[%swap3A_26, %swap3A_27] : memref<10048x64xf32, #tpu.memory_space<vmem>>, vector<48x64xf32>
    tpu.vector_store %arg3[%swap3A_26, %swap3A_27], %broadcast_in_dim3A_25 {strides = array<i32>} : memref<10048x64xf32, #tpu.memory_space<vmem>>, vector<48x64xf32>,
    return
  }
}

module attributes {stable_mosaic.version = 14 : i64} {
  func.func @_tc_layer2_body(%arg0: memref<2x10240x64xf32, #tpu.memory_space<vmem>>, %arg1: memref<10048x64xf32, #tpu.memory_space<vmem>>, %arg2: memref<10000x1xf32, #tpu.memory_space<vmem>>, %arg3: memref<1x64xf32, #tpu.memory_space<vmem>>, %arg4: memref<64x128xf32, #tpu.memory_space<vmem>>, %arg5: memref<10048x128xf32, #tpu.memory_space<vmem>>) attributes {dimension_semantics = [], scalar_prefetch = 0 : i64, scratch_operands = 0 : i64, tpu.core_type = #tpu.core_type<tc>} {
    %get3A = arith.constant 0 : index
    %get3A_0 = arith.constant 0 : index
    %get3A_1 = vector.load %arg2[%get3A, %get3A_0] : memref<10000x1xf32, #tpu.memory_space<vmem>>, vector<10000x1xf32>
    %get3A_2 = arith.constant 0 : index
    %get3A_3 = arith.constant 0 : index
    %get3A_4 = arith.constant 0 : index
    %get3A_5 = vector.load %arg0[%get3A_2, %get3A_3, %get3A_4] : memref<2x10240x64xf32, #tpu.memory_space<vmem>>, vector<1x10000x64xf32>
    %get3A_6 = vector.shape_cast %get3A_5 : vector<1x10000x64xf32> to vector<10000x64xf32>
    %get3A_7 = arith.constant 1 : index
    %get3A_8 = arith.constant 0 : index
    %get3A_9 = arith.constant 0 : index
    %get3A_10 = vector.load %arg0[%get3A_7, %get3A_8, %get3A_9] : memref<2x10240x64xf32, #tpu.memory_space<vmem>>, vector<1x10000x64xf32>
    %get3A_11 = vector.shape_cast %get3A_10 : vector<1x10000x64xf32> to vector<10000x64xf32>
    %add3A = arith.addf %get3A_6, %get3A_11 : vector<10000x64xf32>
    %get3A_12 = arith.constant 0 : index
    %get3A_13 = arith.constant 0 : index
    %get3A_14 = vector.load %arg1[%get3A_12, %get3A_13] : memref<10048x64xf32, #tpu.memory_space<vmem>>, vector<10000x64xf32>
    %add3A_15 = arith.addf %add3A, %get3A_14 : vector<10000x64xf32>
    %mul3A = vector.broadcast %get3A_1 : vector<10000x1xf32> to vector<10000x64xf32>
    %mul3A_16 = arith.mulf %mul3A, %add3A_15 : vector<10000x64xf32>
    %get3A_17 = arith.constant 0 : index
    %get3A_18 = arith.constant 0 : index
    %get3A_19 = vector.load %arg3[%get3A_17, %get3A_18] : memref<1x64xf32, #tpu.memory_space<vmem>>, vector<1x64xf32>
    %add3A_20 = vector.broadcast %get3A_19 : vector<1x64xf32> to vector<10000x64xf32>
    %add3A_21 = arith.addf %mul3A_16, %add3A_20 : vector<10000x64xf32>
    %max3A = arith.constant 0.000000e+00 : f32
    %max3A_22 = vector.broadcast %max3A : f32 to vector<10000x64xf32>
    %max3A_23 = arith.maximumf %add3A_21, %max3A_22 : vector<10000x64xf32>
    %get3A_24 = arith.constant 0 : index
    %get3A_25 = arith.constant 0 : index
    %get3A_26 = vector.load %arg4[%get3A_24, %get3A_25] : memref<64x128xf32, #tpu.memory_space<vmem>>, vector<64x128xf32>
    %dot_general3A = arith.constant dense<0.000000e+00> : vector<10000x128xf32>
    %dot_general3A_27 = tpu.matmul %max3A_23, %get3A_26, %dot_general3A {dimension_numbers = #tpu.dot_dimension_numbers<[1], [0], [0], [1], [0, 0, 1, 1], [], []>, transpose_lhs_hint = false} : vector<10000x64xf32>, vector<64x128xf32>, vector<10000x128xf32> -> vector<10000x128xf32>
    %mul3A_28 = vector.broadcast %get3A_1 : vector<10000x1xf32> to vector<10000x128xf32>
    %mul3A_29 = arith.mulf %dot_general3A_27, %mul3A_28 : vector<10000x128xf32>
    %swap3A = arith.constant 0 : index
    %swap3A_30 = arith.constant 0 : index
    %swap3A_31 = vector.load %arg5[%swap3A, %swap3A_30] : memref<10048x128xf32, #tpu.memory_space<vmem>>, vector<10000x128xf32>
    tpu.vector_store %arg5[%swap3A, %swap3A_30], %mul3A_29 {strides = array<i32>} : memref<10048x128xf32, #tpu.memory_space<vmem>>, vector<10000x128xf32>,
    %broadcast_in_dim3A = arith.constant 0.000000e+00 : f32
    %broadcast_in_dim3A_32 = vector.broadcast %broadcast_in_dim3A : f32 to vector<48x128xf32>
    %swap3A_33 = arith.constant 10000 : index
    %swap3A_34 = arith.constant 0 : index
    %swap3A_35 = vector.load %arg5[%swap3A_33, %swap3A_34] : memref<10048x128xf32, #tpu.memory_space<vmem>>, vector<48x128xf32>
    tpu.vector_store %arg5[%swap3A_33, %swap3A_34], %broadcast_in_dim3A_32 {strides = array<i32>} : memref<10048x128xf32, #tpu.memory_space<vmem>>, vector<48x128xf32>,
    return
  }
}

module attributes {stable_mosaic.version = 14 : i64} {
  func.func @_tc_head_body(%arg0: memref<2x10240x128xf32, #tpu.memory_space<vmem>>, %arg1: memref<10048x128xf32, #tpu.memory_space<vmem>>, %arg2: memref<10000x1xf32, #tpu.memory_space<vmem>>, %arg3: memref<1x128xf32, #tpu.memory_space<vmem>>, %arg4: memref<10000x1xi32, #tpu.memory_space<vmem>>, %arg5: memref<128x10xf32, #tpu.memory_space<vmem>>, %arg6: memref<1x10xf32, #tpu.memory_space<vmem>>, %arg7: memref<32x10xf32, #tpu.memory_space<vmem>>) attributes {dimension_semantics = [], scalar_prefetch = 0 : i64, scratch_operands = 0 : i64, tpu.core_type = #tpu.core_type<tc>} {
    %get3A = arith.constant 0 : index
    %get3A_0 = arith.constant 0 : index
    %get3A_1 = vector.load %arg2[%get3A, %get3A_0] : memref<10000x1xf32, #tpu.memory_space<vmem>>, vector<10000x1xf32>
    %get3A_2 = arith.constant 0 : index
    %get3A_3 = arith.constant 0 : index
    %get3A_4 = arith.constant 0 : index
    %get3A_5 = vector.load %arg0[%get3A_2, %get3A_3, %get3A_4] : memref<2x10240x128xf32, #tpu.memory_space<vmem>>, vector<1x10000x128xf32>
    %get3A_6 = vector.shape_cast %get3A_5 : vector<1x10000x128xf32> to vector<10000x128xf32>
    %get3A_7 = arith.constant 1 : index
    %get3A_8 = arith.constant 0 : index
    %get3A_9 = arith.constant 0 : index
    %get3A_10 = vector.load %arg0[%get3A_7, %get3A_8, %get3A_9] : memref<2x10240x128xf32, #tpu.memory_space<vmem>>, vector<1x10000x128xf32>
    %get3A_11 = vector.shape_cast %get3A_10 : vector<1x10000x128xf32> to vector<10000x128xf32>
    %add3A = arith.addf %get3A_6, %get3A_11 : vector<10000x128xf32>
    %get3A_12 = arith.constant 0 : index
    %get3A_13 = arith.constant 0 : index
    %get3A_14 = vector.load %arg1[%get3A_12, %get3A_13] : memref<10048x128xf32, #tpu.memory_space<vmem>>, vector<10000x128xf32>
    %add3A_15 = arith.addf %add3A, %get3A_14 : vector<10000x128xf32>
    %mul3A = vector.broadcast %get3A_1 : vector<10000x1xf32> to vector<10000x128xf32>
    %mul3A_16 = arith.mulf %mul3A, %add3A_15 : vector<10000x128xf32>
    %get3A_17 = arith.constant 0 : index
    %get3A_18 = arith.constant 0 : index
    %get3A_19 = vector.load %arg3[%get3A_17, %get3A_18] : memref<1x128xf32, #tpu.memory_space<vmem>>, vector<1x128xf32>
    %add3A_20 = vector.broadcast %get3A_19 : vector<1x128xf32> to vector<10000x128xf32>
    %add3A_21 = arith.addf %mul3A_16, %add3A_20 : vector<10000x128xf32>
    %max3A = arith.constant 0.000000e+00 : f32
    %max3A_22 = vector.broadcast %max3A : f32 to vector<10000x128xf32>
    %max3A_23 = arith.maximumf %add3A_21, %max3A_22 : vector<10000x128xf32>
    %iota3A = tpu.iota {dimensions = array<i32: 1>} : vector<10000x32xi32>
    %get3A_24 = arith.constant 0 : index
    %get3A_25 = arith.constant 0 : index
    %get3A_26 = vector.load %arg4[%get3A_24, %get3A_25] : memref<10000x1xi32, #tpu.memory_space<vmem>>, vector<10000x1xi32>
    %eq3A = vector.broadcast %get3A_26 : vector<10000x1xi32> to vector<10000x32xi32>
    %eq3A_27 = arith.cmpi eq, %eq3A, %iota3A : vector<10000x32xi32>
    %convert_element_type3A = arith.extui %eq3A_27 : vector<10000x32xi1> to vector<10000x32xi32>
    %convert_element_type3A_28 = arith.sitofp %convert_element_type3A : vector<10000x32xi32> to vector<10000x32xf32>
    %dot_general3A = arith.constant dense<0.000000e+00> : vector<32x128xf32>
    %dot_general3A_29 = tpu.matmul %convert_element_type3A_28, %max3A_23, %dot_general3A {dimension_numbers = #tpu.dot_dimension_numbers<[0], [0], [1], [1], [0, 1, 1, 1], [], []>, transpose_lhs_hint = false} : vector<10000x32xf32>, vector<10000x128xf32>, vector<32x128xf32> -> vector<32x128xf32>
    %broadcast_in_dim3A = arith.constant 1.000000e+00 : f32
    %broadcast_in_dim3A_30 = vector.broadcast %broadcast_in_dim3A : f32 to vector<10000x1xf32>
    %dot_general3A_31 = arith.constant dense<0.000000e+00> : vector<32x1xf32>
    %dot_general3A_32 = tpu.matmul %convert_element_type3A_28, %broadcast_in_dim3A_30, %dot_general3A_31 {dimension_numbers = #tpu.dot_dimension_numbers<[0], [0], [1], [1], [0, 1, 1, 1], [], []>, transpose_lhs_hint = false} : vector<10000x32xf32>, vector<10000x1xf32>, vector<32x1xf32> -> vector<32x1xf32>
    %max3A_33 = arith.constant 1.000000e+00 : f32
    %max3A_34 = vector.broadcast %max3A_33 : f32 to vector<32x1xf32>
    %max3A_35 = arith.maximumf %dot_general3A_32, %max3A_34 : vector<32x1xf32>
    %div3A = vector.broadcast %max3A_35 : vector<32x1xf32> to vector<32x128xf32>
    %div3A_36 = arith.divf %dot_general3A_29, %div3A : vector<32x128xf32>
    %get3A_37 = arith.constant 0 : index
    %get3A_38 = arith.constant 0 : index
    %get3A_39 = vector.load %arg5[%get3A_37, %get3A_38] : memref<128x10xf32, #tpu.memory_space<vmem>>, vector<128x10xf32>
    %dot_general3A_40 = arith.constant dense<0.000000e+00> : vector<32x10xf32>
    %dot_general3A_41 = tpu.matmul %div3A_36, %get3A_39, %dot_general3A_40 {dimension_numbers = #tpu.dot_dimension_numbers<[1], [0], [0], [1], [0, 0, 1, 1], [], []>, transpose_lhs_hint = false} : vector<32x128xf32>, vector<128x10xf32>, vector<32x10xf32> -> vector<32x10xf32>
    %get3A_42 = arith.constant 0 : index
    %get3A_43 = arith.constant 0 : index
    %get3A_44 = vector.load %arg6[%get3A_42, %get3A_43] : memref<1x10xf32, #tpu.memory_space<vmem>>, vector<1x10xf32>
    %add3A_45 = vector.broadcast %get3A_44 : vector<1x10xf32> to vector<32x10xf32>
    %add3A_46 = arith.addf %dot_general3A_41, %add3A_45 : vector<32x10xf32>
    %reduce_max3A = arith.constant dense<0xFF800000> : vector<32xf32>
    %reduce_max3A_47 = vector.multi_reduction <maximumf>, %add3A_46, %reduce_max3A [1] : vector<32x10xf32> to vector<32xf32>
    %broadcast_in_dim3A_48 = vector.shape_cast %reduce_max3A_47 : vector<32xf32> to vector<32x1xf32>
    %sub3A = vector.broadcast %broadcast_in_dim3A_48 : vector<32x1xf32> to vector<32x10xf32>
    %sub3A_49 = arith.subf %add3A_46, %sub3A : vector<32x10xf32>
    %exp3A = math.exp %sub3A_49 : vector<32x10xf32>
    %reduce_sum3A = arith.constant dense<0.000000e+00> : vector<32xf32>
    %reduce_sum3A_50 = vector.multi_reduction <add>, %exp3A, %reduce_sum3A [1] : vector<32x10xf32> to vector<32xf32>
    %broadcast_in_dim3A_51 = vector.shape_cast %reduce_sum3A_50 : vector<32xf32> to vector<32x1xf32>
    %log3A = math.log %broadcast_in_dim3A_51 : vector<32x1xf32>
    %sub3A_52 = vector.broadcast %broadcast_in_dim3A_48 : vector<32x1xf32> to vector<32x10xf32>
    %sub3A_53 = arith.subf %add3A_46, %sub3A_52 : vector<32x10xf32>
    %sub3A_54 = vector.broadcast %log3A : vector<32x1xf32> to vector<32x10xf32>
    %sub3A_55 = arith.subf %sub3A_53, %sub3A_54 : vector<32x10xf32>
    %swap3A = arith.constant 0 : index
    %swap3A_56 = arith.constant 0 : index
    %swap3A_57 = vector.load %arg7[%swap3A, %swap3A_56] : memref<32x10xf32, #tpu.memory_space<vmem>>, vector<32x10xf32>
    tpu.vector_store %arg7[%swap3A, %swap3A_56], %sub3A_55 {strides = array<i32>} : memref<32x10xf32, #tpu.memory_space<vmem>>, vector<32x10xf32>,
    return
  }
}

</mosaic_0001>

<sc_bundles>
// kernel: kernel.11.cloned.1.call-start
scs
__scs_entry_jumppad:
0x0: {  	(pc) =	sbr.rel $0x88, $3  }
0x1: {  	(tag) =	ssettag $0x0;
	lr =	simm.s32 $0x1  }
0x2: {  	[smem:$0x3F98] =	sst lr;
	_ =	strace $0xD0000000  }
0x3: {  	_ = 	snop  }
0x4: {  	_ = 	snop  }
0x5: {  	_ = 	snop  }
0x6: {  	_ = 	snop  }
0x7: {  	_ = 	snop  }
__scs_overlays_trampoline_lowered:
0x8: {  	[smem:$0x3FA7] =	sst s0  }
0x9: {  	[smem:$0x3FA8] =	sst s1  }
0xa: {  	[smem:$0x3FA9] =	sst s2  }
0xb: {  	[smem:$0x3FAA] =	sst s3  }
0xc: {  	[smem:$0x3FAB] =	sst s4  }
0xd: {  	[smem:$0x3FAC] =	sst s5  }
0xe: {  	[smem:$0x3FAD] =	sst s6  }
0xf: {  	[smem:$0x3FAE] =	sst s7  }
0x10: {  	[smem:$0x3FAF] =	sst s8  }
0x11: {  	[smem:$0x3FB0] =	sst s9;
	s0 =	simm.s32 @!p0 $0x0  }
0x12: {  	s1 =	sld [smem:$0x3F96];
	s0 =	simm.s32 @p0 $0x1  }
0x13: {  	[smem:$0x3FB1] =	sst s0;
	s0 =	simm.s32 @!p1 $0x0  }
0x14: {  	s2 =	sld [smem:$0x3F95];
	s0 =	simm.s32 @p1 $0x1  }
0x15: {  	[smem:$0x3FB2] =	sst s0;
	s0 =	simm.s32 @!p2 $0x0  }
0x16: {  	s3 =	sld [smem:$0x3FDB];
	s0 =	simm.s32 @p2 $0x1  }
0x17: {  	s4 =	simm.s32 $0x1BF5;
	[smem:$0x3FB4] =	sst s0  }
0x18: {  	s0 =	sld [smem:$0x3F97];
	_ =	swait.ge [sflag:s4], $0x0  }
0x19: {  	s7 =	sld [smem:$0x3F98]  }
0x1a: {  	s8 =	sadd.s32 $0xFFFFE003, lr  }
0x1b: {  	s9 =	sadd.s32 $0xFFFFFEF7, lr;
	s5 =	simm.s32 $0xFFFFFFFF;
	p2 =	slt.u32 s8, $0xFFFFF086  }
0x1c: {  	p1 =	slt.u32 s9, $0xF7A;
	s5 =	simm.s32 @!p2 $0x0  }
0x1d: {  	s5 =	simm.s32 @p1 $0x1;
	p0 =	seq.s32 s7, s2  }
0x1e: {  	s7 =	smul.u32 @!p0 $0xF7A, s2;
	p2 =	seq.s32 @!p0 s5, $0x0  }
0x1f: {  	s9 =	smul.u32 $0xF7A, s1;
	s8 =	simm.s32 @!p0 $0x1BF5;
	p2 =	por !p2, p0  }
0x20: {  	[sflag:s8] =	ssyncset.s32 @!p0 $0xFFFFF086;
	s6 =	sadd.s32 @!p0 s3, s7;
	s7 =	simm.s32 @!p0 $0x108  }
0x21: {  	s3 =	sadd.s32 s3, s9;
	s6 =	sadd.s32 @!p0 $0x88, s6;
	s7 =	simm.s32 @p2 $0x1082  }
0x22: {  	[simem:s7], [sflag:s8] =	dma.local @!p0 [hbm:s6], $0xF7A  }
0x23: {  	s9 =	sor.u32 $0xD0000000, s2;
	s6 =	simm.s32 $0x108;
	_ =	swait.ge @!p0 [sflag:s8], $0x0  }
0x24: {  	s3 =	sadd.s32 $0x88, s3;
	s6 =	simm.s32 @!p1 $0x1082;
	[sflag:s4] =	ssyncset.s32 $0xFFFFF086  }
0x25: {  	[simem:s6], [sflag:s4] =	dma.local [hbm:s3], $0xF7A  }
0x26: {  	[smem:$0x3F98] =	sst s1;
	(tag) =	ssettag s2;
	_ =	strace s9  }
0x27: {  	s1 =	sld [smem:$0x3FA8]  }
0x28: {  	s2 =	sld [smem:$0x3FA9]  }
0x29: {  	s4 =	sld [smem:$0x3FAB]  }
0x2a: {  	p0 =	seq.s32 s5, $0x0;
	s5 =	sld [smem:$0x3FAC]  }
0x2b: {  	s6 =	sld [smem:$0x3FAD]  }
0x2c: {  	s7 =	sld [smem:$0x3FAE]  }
0x2d: {  	s3 =	simm.s32 $0x108;
	s8 =	sld [smem:$0x3FAF]  }
0x2e: {  	s3 =	simm.s32 @!p0 $0x1082;
	s9 =	sld [smem:$0x3FB0]  }
0x2f: {  	lr =	sadd.s32 s0, s3;
	s0 =	sld [smem:$0x3FA7]  }
0x30: {  	s3 =	sld [smem:$0x3FAA]  }
0x31: {  	[smem:$0x3FB3] =	sst s10  }
0x32: {  	s10 =	sld [smem:$0x3FB1];
	_ =	sdelay $0x3  }
0x33: {  	p0 =	seq.s32 s10, $0x1;
	s10 =	sld [smem:$0x3FB3];
	_ =	sdelay $0x3  }
0x34: {  	[smem:$0x3FB3] =	sst s10  }
0x35: {  	s10 =	sld [smem:$0x3FB2];
	_ =	sdelay $0x3  }
0x36: {  	p1 =	seq.s32 s10, $0x1;
	s10 =	sld [smem:$0x3FB3];
	_ =	sdelay $0x3  }
0x37: {  	[smem:$0x3FB3] =	sst s10  }
0x38: {  	s10 =	sld [smem:$0x3FB4]  }
0x39: {  	_ = 	snop;
	(pc) =	sbr.ind lr, $3  }
0x3a: {  	_ = 	snop  }
0x3b: {  	_ = 	snop  }
0x3c: {  	p2 =	seq.s32 s10, $0x1;
	s10 =	sld [smem:$0x3FB3]  }
0x3d: {  	_ =	shalt  }
0x3e: {  	_ =	shalt  }
0x3f: {  	_ =	shalt  }
0x40: {  	_ =	shalt  }
0x41: {  	_ =	shalt  }
0x42: {  	_ =	shalt  }
0x43: {  	_ =	shalt  }
0x44: {  	_ =	shalt  }
0x45: {  	_ =	shalt  }
0x46: {  	_ =	shalt  }
0x47: {  	_ =	shalt  }
0x48: {  	_ =	shalt  }
0x49: {  	_ =	shalt  }
0x4a: {  	_ =	shalt  }
0x4b: {  	_ =	shalt  }
0x4c: {  	_ =	shalt  }
0x4d: {  	_ =	shalt  }
0x4e: {  	_ =	shalt  }
0x4f: {  	_ =	shalt  }
0x50: {  	_ =	shalt  }
0x51: {  	_ =	shalt  }
0x52: {  	_ =	shalt  }
0x53: {  	_ =	shalt  }
0x54: {  	_ =	shalt  }
0x55: {  	_ =	shalt  }
0x56: {  	_ =	shalt  }
0x57: {  	_ =	shalt  }
0x58: {  	_ =	shalt  }
0x59: {  	_ =	shalt  }
0x5a: {  	_ =	shalt  }
0x5b: {  	_ =	shalt  }
0x5c: {  	_ =	shalt  }
0x5d: {  	_ =	shalt  }
0x5e: {  	_ =	shalt  }
0x5f: {  	_ =	shalt  }
0x60: {  	_ =	shalt  }
0x61: {  	_ =	shalt  }
0x62: {  	_ =	shalt  }
0x63: {  	_ =	shalt  }
0x64: {  	_ =	shalt  }
0x65: {  	_ =	shalt  }
0x66: {  	_ =	shalt  }
0x67: {  	_ =	shalt  }
0x68: {  	_ =	shalt  }
0x69: {  	_ =	shalt  }
0x6a: {  	_ =	shalt  }
0x6b: {  	_ =	shalt  }
0x6c: {  	_ =	shalt  }
0x6d: {  	_ =	shalt  }
0x6e: {  	_ =	shalt  }
0x6f: {  	_ =	shalt  }
0x70: {  	_ =	shalt  }
0x71: {  	_ =	shalt  }
0x72: {  	_ =	shalt  }
0x73: {  	_ =	shalt  }
0x74: {  	_ =	shalt  }
0x75: {  	_ =	shalt  }
0x76: {  	_ =	shalt  }
0x77: {  	_ =	shalt  }
0x78: {  	_ =	shalt  }
0x79: {  	_ =	shalt  }
0x7a: {  	_ =	shalt  }
0x7b: {  	_ =	shalt  }
0x7c: {  	_ =	shalt  }
0x7d: {  	_ =	shalt  }
0x7e: {  	_ =	shalt  }
0x7f: {  	_ =	shalt  }
0x80: {  	_ =	shalt  }
0x81: {  	_ =	shalt  }
0x82: {  	_ =	shalt  }
0x83: {  	_ =	shalt  }
0x84: {  	_ =	shalt  }
0x85: {  	_ =	shalt  }
0x86: {  	_ =	shalt  }
0x87: {  	_ =	shalt  }
.Lfunc_end0:
.L_simem_size_0:
called_computation.1_lowered:
.L_overlay_start_0:
0x88: {  	s2 =	sld [smem:$0x3FD9]  }
0x89: {  	s3 =	sld [smem:$0x3FFE];
	_ =	sdelay $0x1  }
0x8a: {  	s1 =	srdreg.scid  }
0x8b: {  	s0 =	sand.u32 $0x1, s1  }
0x8c: {  	s16 =	sshll.u32 s0, $0xA;
	s2 =	sadd.s32 s3, s2  }
0x8d: {  	s2 =	sadd.s32 s2, s16  }
0x8e: {  	[smem:$0x3FBF] =	sst s2  }
0x8f: {  	_ = 	snop  }
0x90: {  	(tm) =	ssettm $0x1  }
0x91: {  	s17 =	sld [smem:$0x3FFB];
	_ =	sdelay $0x3  }
0x92: {  	_ =	strace s17  }
0x93: {  	s2 =	sld [smem:$0x3FFC];
	_ =	sdelay $0x3  }
0x94: {  	_ =	strace s2  }
0x95: {  	s2 =	sld [smem:$0x3FFD];
	_ =	sdelay $0x3  }
0x96: {  	_ =	strace s2  }
0x97: {  	_ =	strace $0x8FFFFFFF  }
0x98: {  	s18 =	sld [smem:$0x3FDB];
	_ =	sdelay $0x1  }
0x99: {  	s19 =	simm.s32 $_scs_section_size  }
0x9a: {  	s4 =	simm.s32 $_size__tile_overlayer_lowered;
	s5 =	simm.s32 $_tile_overlayer_lowered  }
0x9b: {  	s22 =	simm.s32 $0x1BFF;
	s21 =	sshll.u32 s5, $0x1;
	s2 =	sadd.s32 s19, s18  }
0x9c: {  	s6 =	simm.s32 $0x0;
	s20 =	sshll.u32 s4, $0x1;
	s4 =	sadd.s32 s21, s2  }
0x9d: {  	[timem:s6], [sflag:s22] =	dma.local [hbm:s4], s20  }
0x9e: {  	_ =	swait.ge [sflag:s22], s20  }
0x9f: {  	s3 =	ssub.s32 $0x0, s20;
	[sflag:s22] =	ssyncset.done $0x0  }
0xa0: {  	[sflag:s22] =	ssyncadd.s32 s3;
	_ =	sdelay $0x1  }
0xa1: {  	s23 =	simm.s32 $0x1B8B  }
0xa2: {  	_ =	swait.ge [sflag:s23], $0x1  }
0xa3: {  	[sflag:s23] =	ssyncset.done $0x0  }
0xa4: {  	s25 =	simm.s32 $0x1B8E;
	s24 =	sld [smem:$0x3FFE];
	[sflag:s23] =	ssyncadd.s32 $0xFFFFFFFF  }
0xa5: {  	s26 =	simm.s32 $execute0_lowered;
	[smem:$0x3FD2] =	sst s25  }
0xa6: {  	s4 =	sshll.u32 s26, $0x1;
	_ =	strace $0x80000049;
	[dreg:$0x1] =	wrdreg $0xFFFFFFFF  }
0xa7: {  	s28 =	simm.s32 $_size_execute0_lowered;
	s2 =	sadd.s32 s2, s4;
	[dreg:$0x0] =	wrdreg $0x0  }
0xa8: {  	s4 =	sshll.u32 s28, $0x1;
	[dreg:$0x2] =	wrdreg s2  }
0xa9: {  	[dreg:$0x3] =	wrdreg s4  }
0xaa: {  	[dreg:$0x4] =	wrdreg $0xC0  }
0xab: {  	_ =	task [dreg:s6], $0x5FFFF  }
0xac: {  	[dreg:$0x1] =	wrdreg $0xFFFFFFFF  }
0xad: {  	[dreg:$0x0] =	wrdreg $0x60  }
0xae: {  	[dreg:$0x2] =	wrdreg s24  }
0xaf: {  	[dreg:$0x3] =	wrdreg $0x90000  }
0xb0: {  	[dreg:$0x4] =	wrdreg $0x9  }
0xb1: {  	_ =	task.clear_ibuf [dreg:s6], $0x5FFFF;
	_ =	strace $0x90000049  }
0xb2: {  	s29 =	simm.s32 $0x9;
	_ =	strace $0x8000004B  }
0xb3: {  	_ =	swait.ge [sflag:s29], $0x1  }
0xb4: {  	[sflag:s29] =	ssyncadd.s32 $0xFFFFFFFF  }
0xb5: {  	_ =	strace $0x9000004B  }
0xb6: {  	_ =	sfence  }
0xb7: {  	s30 =	sld [smem:$0x0];
	_ =	sdelay $0x2  }
0xb8: {  	s31 =	sshll.u32 s1, $0xD;
	s1 =	sshrl.u32 s1, $0x2  }
0xb9: {  	s3 =	sand.u32 $0x4000, s31;
	s1 =	sadd.s32 s1, s30  }
0xba: {  	s0 =	sor.u32 s3, s0;
	s1 =	sshll.u32 s1, $0x11  }
0xbb: {  	s0 =	sor.u32 s1, s0  }
0xbc: {  	s0 =	sadd.s32 $0x8F2B, s0  }
0xbd: {  	[sflag:s0] =	ssyncadd.remote.s32 $0x1  }
0xbe: {  	_ =	sfence.sel $0xFFFF  }
0xbf: {  	[dreg:$0x0] =	wrdreg $0xFFFFFFFF;
	(pc) =	sbr.abs _section_cstart, $3  }
0xc0: {  	[dreg:$0x1] =	wrdreg $0xFFFFFFFF  }
0xc1: {  	_ =	task.clear_ibuf [dreg:s6], $0x2FFFF;
	_ =	strace $0x9FFFFFFF  }
0xc2: {  	(tm) =	ssettm $0x7FFFFFFF  }
0xc3: {  	_ =	shalt  }
tec
execute0_lowered:
.L_overlay_start_1:
0x0: {  	(tag) =	ssettag $0x1  }
0x1: {  	s5 =	rddreg [dreg:$0x0]  }
0x2: {  	s2 =	rddreg [dreg:$0x1]  }
0x3: {  	s0 =	rddreg [dreg:$0x2];
	s3 =	simm.s32 $0x0;
	s4 =	srdreg.scid  }
0x4: {  	s1 =	stileid.u32;
	s14 =	simm.s32 $0x3;
	s15 =	simm.s32 $0x2800  }
0x5: {  	s16 =	simm.s32 $0x5000;
	s17 =	simm.s32 $0x80;
	s18 =	simm.s32 $0x7000  }
0x6: {  	s19 =	simm.s32 $0x1;
	s20 =	simm.s32 $0x2;
	s21 =	simm.s32 $0x4F00  }
0x7: {  	s22 =	simm.s32 $0x4F80;
	s23 =	simm.s32 $0x0;
	s7 =	smul.u32 $0xA000, s1  }
0x8: {  	s6 =	sand.u32 $0x1, s4;
	s29 =	sshll.u32 s1, $0x1;
	s10 =	smul.u32 $0x28000, s1  }
0x9: {  	[smem:$0x7FF] =	sst s3;
	s4 =	sor.u32 s6, s29;
	s8 =	smul.u32 $0xA0000, s6  }
0xa: {  	_ =	strace $0x8000004A;
	s6 =	ssub.s32 $0x2, s6;
	s9 =	smul.u32 $0x500, s4  }
0xb: {  	s4 =	sadd.s32 $0x16800, s5;
	s30 =	sshrl.u32 s6, $0x1;
	s31 =	sshrl.u32 s10, $0x2  }
0xc: {  	s8 =	sadd.s32 s7, s8;
	s13 =	ssub.s32 s6, s30;
	s11 =	sadd.s32 s31, s2  }
0xd: {  	s7 =	sadd.s32 s7, s2;
	s9 =	sadd.s32 s9, s5;
	s8 =	sshrl.u32 s8, $0x3  }
0xe: {  	s10 =	sadd.s32 $0x6000, s11;
	s13 =	smax.u32 s13, $0x1;
	s12 =	sadd.s32 s8, s5  }
0xf: {  	s5 =	sadd.s32 $0xC800, s9;
	s6 =	sadd.s32 $0x2800, s9;
	s8 =	sadd.s32 $0x2000, s11  }
0x10: {  	v0 =	vimm.f32 $0.0e+00;
	s9 =	sadd.s32 $0x4000, s11;
	s11 =	sadd.s32 $0x8000, s11;
	s12 =	sadd.s32 $0x2A200, s12  }
.LBB2_1:
0x11: {  	[tilespmem:s3], [sflag:$0x3] =	stream.linear.gather [hbm4b:s5+s3], $0x2800, $0x38;
	[tilespmem:$0x13000] =	vst v63  }
0x12: {  	_ =	swait.ge [sflag:s14], $0x2800  }
0x13: {  	[sflag:s14] =	ssyncset.done $0x0  }
0x14: {  	[sflag:s14] =	ssyncadd.s32 $0xFFFFD800  }
0x15: {  	[tilespmem:s15], [sflag:$0x3] =	stream.linear.gather [hbm4b:s6+s3], $0x2800, $0x38;
	[tilespmem:$0x13000] =	vst v63  }
0x16: {  	s24 =	sand.u32 $0x7F00, s3;
	s25 =	sand.u32 $0x30, s3;
	_ =	swait.ge [sflag:s14], $0x2800  }
0x17: {  	s26 =	sshrl.u32 s24, $0x2;
	s24 =	simm.s32 $0x40;
	[sflag:s14] =	ssyncset.done $0x0  }
0x18: {  	s26 =	sor.u32 s25, s26;
	s25 =	simm.s32 $0x0;
	[sflag:s14] =	ssyncadd.s32 $0xFFFFD800  }
.LBB2_2:
0x19: {  	p0 =	sne.s32 s24, $0x7FC0  }
0x1a: {  	[tilespmem:s26+$0x5000] =	vst v0;
	s25 =	sadd.s32 $0x10, s25;
	s26 =	smov.u32 s24;
	s24 =	sadd.s32 $0x40, s24  }
.Ltmp0:
0x1b: {  	(pc) =	sbr.rel @p0 .LBB2_2-.Ltmp0, $4  }
0x1c: {  	_ = 	snop  }
0x1d: {  	s26 =	sand.u32 $0x7F00, s26  }
0x1e: {  	s28 =	sand.u32 $0x30, s25;
	s26 =	sshrl.u32 s26, $0x2  }
0x1f: {  	s26 =	sor.u32 s28, s26  }
0x20: {  	[tilespmem:s26+$0x5000] =	vst v0  }
0x21: {  	[spmem:s7] =	stream.linear.scatter [tilespmem:s16], [sflag:$0x3], $0x2000, $0x38;
	[tilespmem:$0x13000] =	vst v63  }
0x22: {  	_ =	swait.ge [sflag:s14], $0x2000  }
0x23: {  	[sflag:s14] =	ssyncset.done $0x0  }
0x24: {  	[sflag:s14] =	ssyncadd.s32 $0xFFFFE000  }
0x25: {  	[spmem:s8] =	stream.linear.scatter [tilespmem:s16], [sflag:$0x3], $0x2000, $0x38;
	[tilespmem:$0x13000] =	vst v63  }
0x26: {  	_ =	swait.ge [sflag:s14], $0x2000  }
0x27: {  	[sflag:s14] =	ssyncset.done $0x0  }
0x28: {  	[sflag:s14] =	ssyncadd.s32 $0xFFFFE000  }
0x29: {  	[spmem:s9] =	stream.linear.scatter [tilespmem:s16], [sflag:$0x3], $0x2000, $0x38;
	[tilespmem:$0x13000] =	vst v63  }
0x2a: {  	_ =	swait.ge [sflag:s14], $0x2000  }
0x2b: {  	[sflag:s14] =	ssyncset.done $0x0  }
0x2c: {  	[sflag:s14] =	ssyncadd.s32 $0xFFFFE000  }
0x2d: {  	[spmem:s10] =	stream.linear.scatter [tilespmem:s16], [sflag:$0x3], $0x2000, $0x38;
	[tilespmem:$0x13000] =	vst v63  }
0x2e: {  	_ =	swait.ge [sflag:s14], $0x2000  }
0x2f: {  	[sflag:s14] =	ssyncset.done $0x0  }
0x30: {  	[sflag:s14] =	ssyncadd.s32 $0xFFFFE000  }
0x31: {  	[spmem:s11] =	stream.linear.scatter [tilespmem:s16], [sflag:$0x3], $0x2000, $0x38;
	[tilespmem:$0x13000] =	vst v63  }
0x32: {  	_ =	swait.ge [sflag:s14], $0x2000  }
0x33: {  	[sflag:s14] =	ssyncset.done $0x0  }
0x34: {  	[sflag:s14] =	ssyncadd.s32 $0xFFFFE000  }
0x35: {  	s24 =	simm.s32 $0x0;
	[bflag:$0x0] =	sbarrier.arrive $0xFFFF  }
0x36: {  	[tilespmem:s16], [sflag:$0x1] =	stream.indirect.gather [hbm4b:s4+s17], $0x40, s24, s17, $0xb8;
	[tilespmem:$0x13000] =	vst v63  }
0x37: {  	_ = 	snop  }
0x38: {  	[tilespmem:s18], [sflag:$0x2] =	stream.indirect.gather [hbm4b:s4+s17], $0x40, s17, s17, $0xb8;
	[tilespmem:$0x13000] =	vst v63  }
0x39: {  	_ =	swait.ge [sflag:s19], $0x2000  }
0x3a: {  	[sflag:s19] =	ssyncset.done $0x0  }
0x3b: {  	s29 =	simm.s32 $0x2800;
	[sflag:s19] =	ssyncadd.s32 $0xFFFFE000  }
0x3c: {  	[spmem:s2] =	stream.indirect.scatter.add.f32 [tilespmem:s16], [sflag:$0x3], $0x40, s29, s17, $0xb8;
	[tilespmem:$0x13000] =	vst v63  }
0x3d: {  	_ =	swait.ge [sflag:s14], $0x2000  }
0x3e: {  	[sflag:s14] =	ssyncset.done $0x0  }
0x3f: {  	s30 =	simm.s32 $0x100;
	[sflag:s14] =	ssyncadd.s32 $0xFFFFE000  }
0x40: {  	[tilespmem:s16], [sflag:$0x1] =	stream.indirect.gather [hbm4b:s4+s17], $0x40, s30, s17, $0xb8;
	[tilespmem:$0x13000] =	vst v63  }
0x41: {  	_ =	swait.ge [sflag:s20], $0x2000  }
0x42: {  	[sflag:s20] =	ssyncset.done $0x0  }
0x43: {  	s31 =	simm.s32 $0x2880;
	[sflag:s20] =	ssyncadd.s32 $0xFFFFE000  }
0x44: {  	[spmem:s2] =	stream.indirect.scatter.add.f32 [tilespmem:s18], [sflag:$0x3], $0x40, s31, s17, $0xb8;
	[tilespmem:$0x13000] =	vst v63  }
0x45: {  	_ =	swait.ge [sflag:s14], $0x2000  }
0x46: {  	[sflag:s14] =	ssyncset.done $0x0  }
0x47: {  	s25 =	simm.s32 $0x180;
	s24 =	simm.s32 $0x400;
	[sflag:s14] =	ssyncadd.s32 $0xFFFFE000  }
.LBB2_4:
0x48: {  	[tilespmem:s18], [sflag:$0x2] =	stream.indirect.gather [hbm4b:s4+s17], $0x40, s25, s17, $0xb8;
	[tilespmem:$0x13000] =	vst v63  }
0x49: {  	s25 =	smov.u32 s24  }
0x4a: {  	p0 =	sne.s32 s24, $0x9800;
	s24 =	sadd.s32 $0x400, s24;
	_ =	swait.ge [sflag:s19], $0x2000  }
0x4b: {  	s25 =	sshra.s32 s25, $0x2;
	[sflag:s19] =	ssyncset.done $0x0  }
0x4c: {  	s26 =	sadd.s32 $0x2800, s25;
	[sflag:s19] =	ssyncadd.s32 $0xFFFFE000  }
0x4d: {  	[spmem:s2] =	stream.indirect.scatter.add.f32 [tilespmem:s16], [sflag:$0x3], $0x40, s26, s17, $0xb8;
	[tilespmem:$0x13000] =	vst v63  }
0x4e: {  	_ =	swait.ge [sflag:s14], $0x2000  }
0x4f: {  	[sflag:s14] =	ssyncset.done $0x0  }
0x50: {  	s26 =	sadd.s32 $0x100, s25;
	[sflag:s14] =	ssyncadd.s32 $0xFFFFE000  }
0x51: {  	[tilespmem:s16], [sflag:$0x1] =	stream.indirect.gather [hbm4b:s4+s17], $0x40, s26, s17, $0xb8;
	[tilespmem:$0x13000] =	vst v63  }
0x52: {  	_ =	swait.ge [sflag:s20], $0x2000  }
0x53: {  	[sflag:s20] =	ssyncset.done $0x0  }
.Ltmp1:
0x54: {  	s26 =	sadd.s32 $0x2880, s25;
	[sflag:s20] =	ssyncadd.s32 $0xFFFFE000;
	(pc) =	sbr.rel @p0 .LBB2_4-.Ltmp1, $4  }
0x55: {  	[spmem:s2] =	stream.indirect.scatter.add.f32 [tilespmem:s18], [sflag:$0x3], $0x40, s26, s17, $0xb8;
	[tilespmem:$0x13000] =	vst v63  }
0x56: {  	_ =	swait.ge [sflag:s14], $0x2000  }
0x57: {  	[sflag:s14] =	ssyncset.done $0x0  }
0x58: {  	s25 =	sadd.s32 $0x180, s25;
	[sflag:s14] =	ssyncadd.s32 $0xFFFFE000  }
0x59: {  	[tilespmem:s18], [sflag:$0x2] =	stream.indirect.gather [hbm4b:s4+s17], $0x40, s25, s17, $0xb8;
	[tilespmem:$0x13000] =	vst v63  }
0x5a: {  	_ =	swait.ge [sflag:s19], $0x2000  }
0x5b: {  	[sflag:s19] =	ssyncset.done $0x0  }
0x5c: {  	[sflag:s19] =	ssyncadd.s32 $0xFFFFE000  }
0x5d: {  	[spmem:s2] =	stream.indirect.scatter.add.f32 [tilespmem:s16], [sflag:$0x3], $0x40, s21, s17, $0xb8;
	[tilespmem:$0x13000] =	vst v63  }
0x5e: {  	_ =	swait.ge [sflag:s14], $0x2000  }
0x5f: {  	[sflag:s14] =	ssyncset.done $0x0  }
0x60: {  	[sflag:s14] =	ssyncadd.s32 $0xFFFFE000  }
0x61: {  	_ =	swait.ge [sflag:s20], $0x2000  }
0x62: {  	[sflag:s20] =	ssyncset.done $0x0  }
0x63: {  	[sflag:s20] =	ssyncadd.s32 $0xFFFFE000  }
0x64: {  	[spmem:s2] =	stream.indirect.scatter.add.f32 [tilespmem:s18], [sflag:$0x3], $0x40, s22, s17, $0xb8;
	[tilespmem:$0x13000] =	vst v63  }
0x65: {  	_ =	swait.ge [sflag:s14], $0x2000  }
0x66: {  	s24 =	sshll.u32 s1, $0x6;
	s23 =	sadd.s32 $0x1, s23;
	[sflag:s14] =	ssyncset.done $0x0  }
0x67: {  	s31 =	sshrl.u32 s7, $0x3;
	p0 =	sne.s32 s23, s13;
	[sflag:s14] =	ssyncadd.s32 $0xFFFFE000  }
.Ltmp2:
0x68: {  	s24 =	sor.u32 $0x1C03, s24;
	[bflag:$0x0] =	sbarrier.arrive $0xFFFF;
	(pc) =	sbr.rel @p0 .LBB2_1-.Ltmp2, $4  }
0x69: {  	[hbm:s12], [sflag:s24] =	dma.local [spmem:s31], $0x1400  }
0x6a: {  	_ =	swait.ge [sflag:s14], $0x1400  }
0x6b: {  	[sflag:s14] =	ssyncset.done $0x0  }
0x6c: {  	[sflag:s14] =	ssyncadd.s32 $0xFFFFEC00  }
0x6d: {  	_ =	sfence.sel $0x180000  }
0x6e: {  	[bflag:$0x0] =	sbarrier.arrive $0xFFFF  }
0x6f: {  	p0 =	sne.s32 s1, $0x0;
	_ =	strace $0x9000004A  }
0x70: {  	s0 =	sadd.s32 @!p0 $0x100000, s0;
	[bflag:$0x2] =	sbarrier.arrive $0xFFFF  }
0x71: {  	[sflag:s0] =	ssyncadd.tile.s32 @!p0 $0x1;
	_ =	shalt  }
.Lfunc_end2:
_tile_overlayer_lowered:
.L_overlay_start_2:
0x72: {  	(tag) =	ssettag $0x2  }
0x73: {  	s0 =	rddreg [dreg:$0x0];
	s2 =	stileid.u32  }
0x74: {  	s1 =	rddreg [dreg:$0x1];
	p0 =	sne.s32 s2, $0x0  }
0x75: {  	s3 =	rddreg [dreg:$0x2];
	[bflag:$0x3] =	sbarrier.arrive $0xFFFF;
	s2 =	simm.s32 @!p0 $0x1C03  }
0x76: {  	[timem:s3], [sflag:s2] =	dma.local @!p0 [hbm:s0], s1  }
0x77: {  	s0 =	simm.s32 @!p0 $0x3  }
0x78: {  	_ =	swait.ge @!p0 [sflag:s0], s1  }
0x79: {  	s1 =	ssub.s32 @!p0 $0x0, s1;
	[sflag:s0] =	ssyncset.done @!p0 $0x0  }
0x7a: {  	[sflag:s0] =	ssyncadd.s32 @!p0 s1  }
0x7b: {  	[bflag:$0x3] =	sbarrier.arrive $0xFFFF  }
0x7c: {  	_ =	shalt  }

// kernel: kernel.14.cloned.1.call-start
scs
__scs_entry_jumppad:
0x0: {  	(pc) =	sbr.rel $0x88, $3  }
0x1: {  	(tag) =	ssettag $0x0;
	lr =	simm.s32 $0x1  }
0x2: {  	[smem:$0x3F98] =	sst lr;
	_ =	strace $0xD0000000  }
0x3: {  	_ = 	snop  }
0x4: {  	_ = 	snop  }
0x5: {  	_ = 	snop  }
0x6: {  	_ = 	snop  }
0x7: {  	_ = 	snop  }
__scs_overlays_trampoline_lowered:
0x8: {  	[smem:$0x3FA7] =	sst s0  }
0x9: {  	[smem:$0x3FA8] =	sst s1  }
0xa: {  	[smem:$0x3FA9] =	sst s2  }
0xb: {  	[smem:$0x3FAA] =	sst s3  }
0xc: {  	[smem:$0x3FAB] =	sst s4  }
0xd: {  	[smem:$0x3FAC] =	sst s5  }
0xe: {  	[smem:$0x3FAD] =	sst s6  }
0xf: {  	[smem:$0x3FAE] =	sst s7  }
0x10: {  	[smem:$0x3FAF] =	sst s8  }
0x11: {  	[smem:$0x3FB0] =	sst s9;
	s0 =	simm.s32 @!p0 $0x0  }
0x12: {  	s1 =	sld [smem:$0x3F96];
	s0 =	simm.s32 @p0 $0x1  }
0x13: {  	[smem:$0x3FB1] =	sst s0;
	s0 =	simm.s32 @!p1 $0x0  }
0x14: {  	s2 =	sld [smem:$0x3F95];
	s0 =	simm.s32 @p1 $0x1  }
0x15: {  	[smem:$0x3FB2] =	sst s0;
	s0 =	simm.s32 @!p2 $0x0  }
0x16: {  	s3 =	sld [smem:$0x3FDB];
	s0 =	simm.s32 @p2 $0x1  }
0x17: {  	s4 =	simm.s32 $0x1BF5;
	[smem:$0x3FB4] =	sst s0  }
0x18: {  	s0 =	sld [smem:$0x3F97];
	_ =	swait.ge [sflag:s4], $0x0  }
0x19: {  	s7 =	sld [smem:$0x3F98]  }
0x1a: {  	s8 =	sadd.s32 $0xFFFFE003, lr  }
0x1b: {  	s9 =	sadd.s32 $0xFFFFFEF7, lr;
	s5 =	simm.s32 $0xFFFFFFFF;
	p2 =	slt.u32 s8, $0xFFFFF086  }
0x1c: {  	p1 =	slt.u32 s9, $0xF7A;
	s5 =	simm.s32 @!p2 $0x0  }
0x1d: {  	s5 =	simm.s32 @p1 $0x1;
	p0 =	seq.s32 s7, s2  }
0x1e: {  	s7 =	smul.u32 @!p0 $0xF7A, s2;
	p2 =	seq.s32 @!p0 s5, $0x0  }
0x1f: {  	s9 =	smul.u32 $0xF7A, s1;
	s8 =	simm.s32 @!p0 $0x1BF5;
	p2 =	por !p2, p0  }
0x20: {  	[sflag:s8] =	ssyncset.s32 @!p0 $0xFFFFF086;
	s6 =	sadd.s32 @!p0 s3, s7;
	s7 =	simm.s32 @!p0 $0x108  }
0x21: {  	s3 =	sadd.s32 s3, s9;
	s6 =	sadd.s32 @!p0 $0x88, s6;
	s7 =	simm.s32 @p2 $0x1082  }
0x22: {  	[simem:s7], [sflag:s8] =	dma.local @!p0 [hbm:s6], $0xF7A  }
0x23: {  	s9 =	sor.u32 $0xD0000000, s2;
	s6 =	simm.s32 $0x108;
	_ =	swait.ge @!p0 [sflag:s8], $0x0  }
0x24: {  	s3 =	sadd.s32 $0x88, s3;
	s6 =	simm.s32 @!p1 $0x1082;
	[sflag:s4] =	ssyncset.s32 $0xFFFFF086  }
0x25: {  	[simem:s6], [sflag:s4] =	dma.local [hbm:s3], $0xF7A  }
0x26: {  	[smem:$0x3F98] =	sst s1;
	(tag) =	ssettag s2;
	_ =	strace s9  }
0x27: {  	s1 =	sld [smem:$0x3FA8]  }
0x28: {  	s2 =	sld [smem:$0x3FA9]  }
0x29: {  	s4 =	sld [smem:$0x3FAB]  }
0x2a: {  	p0 =	seq.s32 s5, $0x0;
	s5 =	sld [smem:$0x3FAC]  }
0x2b: {  	s6 =	sld [smem:$0x3FAD]  }
0x2c: {  	s7 =	sld [smem:$0x3FAE]  }
0x2d: {  	s3 =	simm.s32 $0x108;
	s8 =	sld [smem:$0x3FAF]  }
0x2e: {  	s3 =	simm.s32 @!p0 $0x1082;
	s9 =	sld [smem:$0x3FB0]  }
0x2f: {  	lr =	sadd.s32 s0, s3;
	s0 =	sld [smem:$0x3FA7]  }
0x30: {  	s3 =	sld [smem:$0x3FAA]  }
0x31: {  	[smem:$0x3FB3] =	sst s10  }
0x32: {  	s10 =	sld [smem:$0x3FB1];
	_ =	sdelay $0x3  }
0x33: {  	p0 =	seq.s32 s10, $0x1;
	s10 =	sld [smem:$0x3FB3];
	_ =	sdelay $0x3  }
0x34: {  	[smem:$0x3FB3] =	sst s10  }
0x35: {  	s10 =	sld [smem:$0x3FB2];
	_ =	sdelay $0x3  }
0x36: {  	p1 =	seq.s32 s10, $0x1;
	s10 =	sld [smem:$0x3FB3];
	_ =	sdelay $0x3  }
0x37: {  	[smem:$0x3FB3] =	sst s10  }
0x38: {  	s10 =	sld [smem:$0x3FB4]  }
0x39: {  	_ = 	snop;
	(pc) =	sbr.ind lr, $3  }
0x3a: {  	_ = 	snop  }
0x3b: {  	_ = 	snop  }
0x3c: {  	p2 =	seq.s32 s10, $0x1;
	s10 =	sld [smem:$0x3FB3]  }
0x3d: {  	_ =	shalt  }
0x3e: {  	_ =	shalt  }
0x3f: {  	_ =	shalt  }
0x40: {  	_ =	shalt  }
0x41: {  	_ =	shalt  }
0x42: {  	_ =	shalt  }
0x43: {  	_ =	shalt  }
0x44: {  	_ =	shalt  }
0x45: {  	_ =	shalt  }
0x46: {  	_ =	shalt  }
0x47: {  	_ =	shalt  }
0x48: {  	_ =	shalt  }
0x49: {  	_ =	shalt  }
0x4a: {  	_ =	shalt  }
0x4b: {  	_ =	shalt  }
0x4c: {  	_ =	shalt  }
0x4d: {  	_ =	shalt  }
0x4e: {  	_ =	shalt  }
0x4f: {  	_ =	shalt  }
0x50: {  	_ =	shalt  }
0x51: {  	_ =	shalt  }
0x52: {  	_ =	shalt  }
0x53: {  	_ =	shalt  }
0x54: {  	_ =	shalt  }
0x55: {  	_ =	shalt  }
0x56: {  	_ =	shalt  }
0x57: {  	_ =	shalt  }
0x58: {  	_ =	shalt  }
0x59: {  	_ =	shalt  }
0x5a: {  	_ =	shalt  }
0x5b: {  	_ =	shalt  }
0x5c: {  	_ =	shalt  }
0x5d: {  	_ =	shalt  }
0x5e: {  	_ =	shalt  }
0x5f: {  	_ =	shalt  }
0x60: {  	_ =	shalt  }
0x61: {  	_ =	shalt  }
0x62: {  	_ =	shalt  }
0x63: {  	_ =	shalt  }
0x64: {  	_ =	shalt  }
0x65: {  	_ =	shalt  }
0x66: {  	_ =	shalt  }
0x67: {  	_ =	shalt  }
0x68: {  	_ =	shalt  }
0x69: {  	_ =	shalt  }
0x6a: {  	_ =	shalt  }
0x6b: {  	_ =	shalt  }
0x6c: {  	_ =	shalt  }
0x6d: {  	_ =	shalt  }
0x6e: {  	_ =	shalt  }
0x6f: {  	_ =	shalt  }
0x70: {  	_ =	shalt  }
0x71: {  	_ =	shalt  }
0x72: {  	_ =	shalt  }
0x73: {  	_ =	shalt  }
0x74: {  	_ =	shalt  }
0x75: {  	_ =	shalt  }
0x76: {  	_ =	shalt  }
0x77: {  	_ =	shalt  }
0x78: {  	_ =	shalt  }
0x79: {  	_ =	shalt  }
0x7a: {  	_ =	shalt  }
0x7b: {  	_ =	shalt  }
0x7c: {  	_ =	shalt  }
0x7d: {  	_ =	shalt  }
0x7e: {  	_ =	shalt  }
0x7f: {  	_ =	shalt  }
0x80: {  	_ =	shalt  }
0x81: {  	_ =	shalt  }
0x82: {  	_ =	shalt  }
0x83: {  	_ =	shalt  }
0x84: {  	_ =	shalt  }
0x85: {  	_ =	shalt  }
0x86: {  	_ =	shalt  }
0x87: {  	_ =	shalt  }
.Lfunc_end0:
.L_simem_size_0:
called_computation.2_lowered:
.L_overlay_start_0:
0x88: {  	s2 =	sld [smem:$0x3FD9]  }
0x89: {  	s3 =	sld [smem:$0x3FFE];
	_ =	sdelay $0x1  }
0x8a: {  	s1 =	srdreg.scid  }
0x8b: {  	s0 =	sand.u32 $0x1, s1  }
0x8c: {  	s16 =	sshll.u32 s0, $0xA;
	s2 =	sadd.s32 s3, s2  }
0x8d: {  	s2 =	sadd.s32 s2, s16  }
0x8e: {  	[smem:$0x3FBF] =	sst s2  }
0x8f: {  	_ = 	snop  }
0x90: {  	(tm) =	ssettm $0x1  }
0x91: {  	s17 =	sld [smem:$0x3FFB];
	_ =	sdelay $0x3  }
0x92: {  	_ =	strace s17  }
0x93: {  	s2 =	sld [smem:$0x3FFC];
	_ =	sdelay $0x3  }
0x94: {  	_ =	strace s2  }
0x95: {  	s2 =	sld [smem:$0x3FFD];
	_ =	sdelay $0x3  }
0x96: {  	_ =	strace s2  }
0x97: {  	_ =	strace $0x8FFFFFFF  }
0x98: {  	s18 =	sld [smem:$0x3FDB];
	_ =	sdelay $0x1  }
0x99: {  	s19 =	simm.s32 $_scs_section_size  }
0x9a: {  	s4 =	simm.s32 $_size__tile_overlayer_lowered;
	s5 =	simm.s32 $_tile_overlayer_lowered  }
0x9b: {  	s22 =	simm.s32 $0x1BFF;
	s21 =	sshll.u32 s5, $0x1;
	s2 =	sadd.s32 s19, s18  }
0x9c: {  	s6 =	simm.s32 $0x0;
	s20 =	sshll.u32 s4, $0x1;
	s4 =	sadd.s32 s21, s2  }
0x9d: {  	[timem:s6], [sflag:s22] =	dma.local [hbm:s4], s20  }
0x9e: {  	_ =	swait.ge [sflag:s22], s20  }
0x9f: {  	s3 =	ssub.s32 $0x0, s20;
	[sflag:s22] =	ssyncset.done $0x0  }
0xa0: {  	[sflag:s22] =	ssyncadd.s32 s3;
	_ =	sdelay $0x1  }
0xa1: {  	s23 =	simm.s32 $0x1B8B  }
0xa2: {  	_ =	swait.ge [sflag:s23], $0x1  }
0xa3: {  	[sflag:s23] =	ssyncset.done $0x0  }
0xa4: {  	s25 =	simm.s32 $0x1B8E;
	s24 =	sld [smem:$0x3FFE];
	[sflag:s23] =	ssyncadd.s32 $0xFFFFFFFF  }
0xa5: {  	s26 =	simm.s32 $execute0_lowered;
	[smem:$0x3FD2] =	sst s25  }
0xa6: {  	s4 =	sshll.u32 s26, $0x1;
	_ =	strace $0x8000004C;
	[dreg:$0x1] =	wrdreg $0xFFFFFFFF  }
0xa7: {  	s28 =	simm.s32 $_size_execute0_lowered;
	s2 =	sadd.s32 s2, s4;
	[dreg:$0x0] =	wrdreg $0x0  }
0xa8: {  	s4 =	sshll.u32 s28, $0x1;
	[dreg:$0x2] =	wrdreg s2  }
0xa9: {  	[dreg:$0x3] =	wrdreg s4  }
0xaa: {  	[dreg:$0x4] =	wrdreg $0xC0  }
0xab: {  	_ =	task [dreg:s6], $0x5FFFF  }
0xac: {  	[dreg:$0x1] =	wrdreg $0xFFFFFFFF  }
0xad: {  	[dreg:$0x0] =	wrdreg $0x60  }
0xae: {  	[dreg:$0x2] =	wrdreg s24  }
0xaf: {  	[dreg:$0x3] =	wrdreg $0xA8000  }
0xb0: {  	[dreg:$0x4] =	wrdreg $0x9  }
0xb1: {  	_ =	task.clear_ibuf [dreg:s6], $0x5FFFF;
	_ =	strace $0x9000004C  }
0xb2: {  	s29 =	simm.s32 $0x9;
	_ =	strace $0x80000054  }
0xb3: {  	_ =	swait.ge [sflag:s29], $0x1  }
0xb4: {  	[sflag:s29] =	ssyncadd.s32 $0xFFFFFFFF  }
0xb5: {  	_ =	strace $0x90000054  }
0xb6: {  	_ =	sfence  }
0xb7: {  	s30 =	sld [smem:$0x0];
	_ =	sdelay $0x2  }
0xb8: {  	s31 =	sshll.u32 s1, $0xD;
	s1 =	sshrl.u32 s1, $0x2  }
0xb9: {  	s3 =	sand.u32 $0x4000, s31;
	s1 =	sadd.s32 s1, s30  }
0xba: {  	s0 =	sor.u32 s3, s0;
	s1 =	sshll.u32 s1, $0x11  }
0xbb: {  	s0 =	sor.u32 s1, s0  }
0xbc: {  	s0 =	sadd.s32 $0x8F2B, s0  }
0xbd: {  	[sflag:s0] =	ssyncadd.remote.s32 $0x1  }
0xbe: {  	_ =	sfence.sel $0xFFFF  }
0xbf: {  	[dreg:$0x0] =	wrdreg $0xFFFFFFFF;
	(pc) =	sbr.abs _section_cstart, $3  }
0xc0: {  	[dreg:$0x1] =	wrdreg $0xFFFFFFFF  }
0xc1: {  	_ =	task.clear_ibuf [dreg:s6], $0x2FFFF;
	_ =	strace $0x9FFFFFFF  }
0xc2: {  	(tm) =	ssettm $0x7FFFFFFF  }
0xc3: {  	_ =	shalt  }
tec
execute0_lowered:
.L_overlay_start_1:
0x0: {  	(tag) =	ssettag $0x1  }
0x1: {  	s5 =	rddreg [dreg:$0x0];
	s0 =	srdreg.scid  }
0x2: {  	s2 =	rddreg [dreg:$0x1];
	s1 =	stileid.u32  }
0x3: {  	s3 =	simm.s32 $0x0;
	s17 =	simm.s32 $0x3;
	s18 =	simm.s32 $0x1400  }
0x4: {  	s19 =	simm.s32 $0x80;
	s20 =	simm.s32 $0x6800;
	s21 =	simm.s32 $0x1  }
0x5: {  	s22 =	simm.s32 $0x2;
	s23 =	simm.s32 $0x2700;
	s24 =	simm.s32 $0x2780  }
0x6: {  	s25 =	simm.s32 $0x0;
	s6 =	sand.u32 $0x1, s0;
	s0 =	rddreg [dreg:$0x2]  }
0x7: {  	s8 =	smul.u32 $0x14000, s1;
	[smem:$0x7FF] =	sst s3;
	s4 =	sadd.s32 $0x16800, s5  }
0x8: {  	s12 =	sadd.s32 $0xC800, s5;
	s26 =	smul.u32 $0x50000, s1;
	s28 =	sshll.u32 s1, $0x1  }
0x9: {  	s13 =	sadd.s32 $0x2800, s5;
	s7 =	smul.u32 $0x140000, s6;
	s9 =	sor.u32 s6, s28  }
0xa: {  	_ =	strace $0x8000004D;
	s29 =	ssub.s32 $0x2, s6;
	s10 =	smul.u32 $0x2800, s9  }
0xb: {  	s31 =	sshrl.u32 s29, $0x1;
	s11 =	smul.u32 $0x500, s9;
	s7 =	sadd.s32 s8, s7  }
0xc: {  	s30 =	sshrl.u32 s26, $0x2;
	s15 =	ssub.s32 s29, s31;
	s7 =	sshrl.u32 s7, $0x3  }
0xd: {  	s16 =	sshrl.u32 s10, $0x3;
	s10 =	sadd.s32 s12, s11;
	s11 =	sadd.s32 s13, s11  }
0xe: {  	s15 =	smax.u32 s15, $0x1;
	s14 =	sadd.s32 s7, s5;
	s5 =	sadd.s32 s30, s2  }
0xf: {  	s16 =	sadd.s32 $0x280, s16;
	s6 =	sadd.s32 $0x4000, s5;
	s7 =	sadd.s32 $0x8000, s5  }
0x10: {  	s8 =	sadd.s32 $0xC000, s5;
	s9 =	sadd.s32 $0x10000, s5;
	s12 =	sadd.s32 s12, s16  }
0x11: {  	v0 =	vimm.f32 $0.0e+00;
	s13 =	sadd.s32 s13, s16;
	s14 =	sadd.s32 $0x3DC00, s14;
	s16 =	simm.s32 $0x2800  }
.LBB2_1:
0x12: {  	s26 =	sand.u32 $0xFE00, s3  }
0x13: {  	_ =	strace $0x8000004E;
	s28 =	sand.u32 $0x70, s3;
	s29 =	sshrl.u32 s26, $0x2  }
0x14: {  	s26 =	simm.s32 $0x40;
	s29 =	sor.u32 s28, s29;
	s28 =	simm.s32 $0x0  }
.LBB2_2:
0x15: {  	p0 =	sne.s32 s26, $0xFFC0  }
0x16: {  	[tilespmem:s29+$0x2800] =	vst v0;
	s28 =	sadd.s32 $0x10, s28;
	s29 =	smov.u32 s26;
	s26 =	sadd.s32 $0x40, s26  }
.Ltmp0:
0x17: {  	(pc) =	sbr.rel @p0 .LBB2_2-.Ltmp0, $4  }
0x18: {  	_ = 	snop  }
0x19: {  	s29 =	sand.u32 $0xFE00, s29  }
0x1a: {  	s30 =	sand.u32 $0x70, s28;
	s29 =	sshrl.u32 s29, $0x2  }
0x1b: {  	s29 =	sor.u32 s30, s29  }
0x1c: {  	[tilespmem:s29+$0x2800] =	vst v0  }
0x1d: {  	[spmem:s5] =	stream.linear.scatter [tilespmem:s16], [sflag:$0x3], $0x4000, $0x200038;
	[tilespmem:$0x1E800] =	vst v63  }
0x1e: {  	_ =	swait.ge [sflag:s17], $0x4000  }
0x1f: {  	[sflag:s17] =	ssyncset.done $0x0  }
0x20: {  	[sflag:s17] =	ssyncadd.s32 $0xFFFFC000  }
0x21: {  	[spmem:s6] =	stream.linear.scatter [tilespmem:s16], [sflag:$0x3], $0x4000, $0x200038;
	[tilespmem:$0x1E800] =	vst v63  }
0x22: {  	_ =	swait.ge [sflag:s17], $0x4000  }
0x23: {  	[sflag:s17] =	ssyncset.done $0x0  }
0x24: {  	[sflag:s17] =	ssyncadd.s32 $0xFFFFC000  }
0x25: {  	[spmem:s7] =	stream.linear.scatter [tilespmem:s16], [sflag:$0x3], $0x4000, $0x200038;
	[tilespmem:$0x1E800] =	vst v63  }
0x26: {  	_ =	swait.ge [sflag:s17], $0x4000  }
0x27: {  	[sflag:s17] =	ssyncset.done $0x0  }
0x28: {  	[sflag:s17] =	ssyncadd.s32 $0xFFFFC000  }
0x29: {  	[spmem:s8] =	stream.linear.scatter [tilespmem:s16], [sflag:$0x3], $0x4000, $0x200038;
	[tilespmem:$0x1E800] =	vst v63  }
0x2a: {  	_ =	swait.ge [sflag:s17], $0x4000  }
0x2b: {  	[sflag:s17] =	ssyncset.done $0x0  }
0x2c: {  	[sflag:s17] =	ssyncadd.s32 $0xFFFFC000  }
0x2d: {  	[spmem:s9] =	stream.linear.scatter [tilespmem:s16], [sflag:$0x3], $0x4000, $0x200038;
	[tilespmem:$0x1E800] =	vst v63  }
0x2e: {  	_ =	swait.ge [sflag:s17], $0x4000  }
0x2f: {  	[sflag:s17] =	ssyncset.done $0x0  }
0x30: {  	[sflag:s17] =	ssyncadd.s32 $0xFFFFC000  }
0x31: {  	[bflag:$0x0] =	sbarrier.arrive $0xFFFF  }
0x32: {  	_ =	strace $0x9000004E  }
0x33: {  	s26 =	simm.s32 $0x0;
	_ =	strace $0x8000004F  }
0x34: {  	[tilespmem:s26], [sflag:$0x3] =	stream.linear.gather [hbm4b:s10+s26], $0x1400, $0x200038;
	[tilespmem:$0x1E800] =	vst v63  }
0x35: {  	_ =	swait.ge [sflag:s17], $0x1400  }
0x36: {  	[sflag:s17] =	ssyncset.done $0x0  }
0x37: {  	[sflag:s17] =	ssyncadd.s32 $0xFFFFEC00  }
0x38: {  	[tilespmem:s18], [sflag:$0x3] =	stream.linear.gather [hbm4b:s11+s26], $0x1400, $0x200038;
	[tilespmem:$0x1E800] =	vst v63  }
0x39: {  	_ =	swait.ge [sflag:s17], $0x1400  }
0x3a: {  	[sflag:s17] =	ssyncset.done $0x0  }
0x3b: {  	[sflag:s17] =	ssyncadd.s32 $0xFFFFEC00  }
0x3c: {  	_ =	strace $0x9000004F  }
0x3d: {  	[tilespmem:s16], [sflag:$0x1] =	stream.indirect.gather [hbm4b:s4+s19], $0x80, s26, s19, $0xb8;
	[tilespmem:$0x1E800] =	vst v63  }
0x3e: {  	_ = 	snop  }
0x3f: {  	[tilespmem:s20], [sflag:$0x2] =	stream.indirect.gather [hbm4b:s4+s19], $0x80, s19, s19, $0xb8;
	[tilespmem:$0x1E800] =	vst v63  }
0x40: {  	_ =	strace $0x80000050  }
0x41: {  	_ =	swait.ge [sflag:s21], $0x4000  }
0x42: {  	[sflag:s21] =	ssyncset.done $0x0  }
0x43: {  	s29 =	simm.s32 $0x1400;
	[sflag:s21] =	ssyncadd.s32 $0xFFFFC000  }
0x44: {  	[spmem:s2] =	stream.indirect.scatter.add.f32 [tilespmem:s16], [sflag:$0x3], $0x80, s29, s19, $0x2000b8;
	[tilespmem:$0x1E800] =	vst v63  }
0x45: {  	_ =	swait.ge [sflag:s17], $0x4000  }
0x46: {  	[sflag:s17] =	ssyncset.done $0x0  }
0x47: {  	s30 =	simm.s32 $0x100;
	[sflag:s17] =	ssyncadd.s32 $0xFFFFC000  }
0x48: {  	[tilespmem:s16], [sflag:$0x1] =	stream.indirect.gather [hbm4b:s4+s19], $0x80, s30, s19, $0x2000b8;
	[tilespmem:$0x1E800] =	vst v63  }
0x49: {  	_ =	swait.ge [sflag:s22], $0x4000  }
0x4a: {  	[sflag:s22] =	ssyncset.done $0x0  }
0x4b: {  	s31 =	simm.s32 $0x1480;
	[sflag:s22] =	ssyncadd.s32 $0xFFFFC000  }
0x4c: {  	[spmem:s2] =	stream.indirect.scatter.add.f32 [tilespmem:s20], [sflag:$0x3], $0x80, s31, s19, $0x2000b8;
	[tilespmem:$0x1E800] =	vst v63  }
0x4d: {  	_ =	swait.ge [sflag:s17], $0x4000  }
0x4e: {  	[sflag:s17] =	ssyncset.done $0x0  }
0x4f: {  	s28 =	simm.s32 $0x180;
	s26 =	simm.s32 $0x400;
	[sflag:s17] =	ssyncadd.s32 $0xFFFFC000  }
.LBB2_4:
0x50: {  	[tilespmem:s20], [sflag:$0x2] =	stream.indirect.gather [hbm4b:s4+s19], $0x80, s28, s19, $0x2000b8;
	[tilespmem:$0x1E800] =	vst v63  }
0x51: {  	s28 =	smov.u32 s26  }
0x52: {  	p0 =	sne.s32 s26, $0x4800;
	s26 =	sadd.s32 $0x400, s26;
	_ =	swait.ge [sflag:s21], $0x4000  }
0x53: {  	s28 =	sshra.s32 s28, $0x2;
	[sflag:s21] =	ssyncset.done $0x0  }
0x54: {  	s29 =	sadd.s32 $0x1400, s28;
	[sflag:s21] =	ssyncadd.s32 $0xFFFFC000  }
0x55: {  	[spmem:s2] =	stream.indirect.scatter.add.f32 [tilespmem:s16], [sflag:$0x3], $0x80, s29, s19, $0x2000b8;
	[tilespmem:$0x1E800] =	vst v63  }
0x56: {  	_ =	swait.ge [sflag:s17], $0x4000  }
0x57: {  	[sflag:s17] =	ssyncset.done $0x0  }
0x58: {  	s29 =	sadd.s32 $0x100, s28;
	[sflag:s17] =	ssyncadd.s32 $0xFFFFC000  }
0x59: {  	[tilespmem:s16], [sflag:$0x1] =	stream.indirect.gather [hbm4b:s4+s19], $0x80, s29, s19, $0x2000b8;
	[tilespmem:$0x1E800] =	vst v63  }
0x5a: {  	_ =	swait.ge [sflag:s22], $0x4000  }
0x5b: {  	[sflag:s22] =	ssyncset.done $0x0  }
.Ltmp1:
0x5c: {  	s29 =	sadd.s32 $0x1480, s28;
	[sflag:s22] =	ssyncadd.s32 $0xFFFFC000;
	(pc) =	sbr.rel @p0 .LBB2_4-.Ltmp1, $4  }
0x5d: {  	[spmem:s2] =	stream.indirect.scatter.add.f32 [tilespmem:s20], [sflag:$0x3], $0x80, s29, s19, $0x2000b8;
	[tilespmem:$0x1E800] =	vst v63  }
0x5e: {  	_ =	swait.ge [sflag:s17], $0x4000  }
0x5f: {  	[sflag:s17] =	ssyncset.done $0x0  }
0x60: {  	s28 =	sadd.s32 $0x180, s28;
	[sflag:s17] =	ssyncadd.s32 $0xFFFFC000  }
0x61: {  	[tilespmem:s20], [sflag:$0x2] =	stream.indirect.gather [hbm4b:s4+s19], $0x80, s28, s19, $0x2000b8;
	[tilespmem:$0x1E800] =	vst v63  }
0x62: {  	_ =	swait.ge [sflag:s21], $0x4000  }
0x63: {  	[sflag:s21] =	ssyncset.done $0x0  }
0x64: {  	[sflag:s21] =	ssyncadd.s32 $0xFFFFC000  }
0x65: {  	[spmem:s2] =	stream.indirect.scatter.add.f32 [tilespmem:s16], [sflag:$0x3], $0x80, s23, s19, $0x2000b8;
	[tilespmem:$0x1E800] =	vst v63  }
0x66: {  	_ =	swait.ge [sflag:s17], $0x4000  }
0x67: {  	[sflag:s17] =	ssyncset.done $0x0  }
0x68: {  	[sflag:s17] =	ssyncadd.s32 $0xFFFFC000  }
0x69: {  	_ =	swait.ge [sflag:s22], $0x4000  }
0x6a: {  	[sflag:s22] =	ssyncset.done $0x0  }
0x6b: {  	[sflag:s22] =	ssyncadd.s32 $0xFFFFC000  }
0x6c: {  	[spmem:s2] =	stream.indirect.scatter.add.f32 [tilespmem:s20], [sflag:$0x3], $0x80, s24, s19, $0x2000b8;
	[tilespmem:$0x1E800] =	vst v63  }
0x6d: {  	_ =	swait.ge [sflag:s17], $0x4000  }
0x6e: {  	[sflag:s17] =	ssyncset.done $0x0  }
0x6f: {  	[sflag:s17] =	ssyncadd.s32 $0xFFFFC000  }
0x70: {  	_ =	strace $0x90000050  }
0x71: {  	s26 =	simm.s32 $0x0;
	_ =	strace $0x80000051  }
0x72: {  	[tilespmem:s26], [sflag:$0x3] =	stream.linear.gather [hbm4b:s12+s26], $0x1400, $0x200038;
	[tilespmem:$0x1E800] =	vst v63  }
0x73: {  	_ =	swait.ge [sflag:s17], $0x1400  }
0x74: {  	[sflag:s17] =	ssyncset.done $0x0  }
0x75: {  	[sflag:s17] =	ssyncadd.s32 $0xFFFFEC00  }
0x76: {  	[tilespmem:s18], [sflag:$0x3] =	stream.linear.gather [hbm4b:s13+s26], $0x1400, $0x200038;
	[tilespmem:$0x1E800] =	vst v63  }
0x77: {  	_ =	swait.ge [sflag:s17], $0x1400  }
0x78: {  	[sflag:s17] =	ssyncset.done $0x0  }
0x79: {  	[sflag:s17] =	ssyncadd.s32 $0xFFFFEC00  }
0x7a: {  	_ =	strace $0x90000051  }
0x7b: {  	[tilespmem:s16], [sflag:$0x1] =	stream.indirect.gather [hbm4b:s4+s19], $0x80, s26, s19, $0xb8;
	[tilespmem:$0x1E800] =	vst v63  }
0x7c: {  	_ = 	snop  }
0x7d: {  	[tilespmem:s20], [sflag:$0x2] =	stream.indirect.gather [hbm4b:s4+s19], $0x80, s19, s19, $0xb8;
	[tilespmem:$0x1E800] =	vst v63  }
0x7e: {  	_ =	strace $0x80000052  }
0x7f: {  	_ =	swait.ge [sflag:s21], $0x4000  }
0x80: {  	[sflag:s21] =	ssyncset.done $0x0  }
0x81: {  	s29 =	simm.s32 $0x1400;
	[sflag:s21] =	ssyncadd.s32 $0xFFFFC000  }
0x82: {  	[spmem:s2] =	stream.indirect.scatter.add.f32 [tilespmem:s16], [sflag:$0x3], $0x80, s29, s19, $0x2000b8;
	[tilespmem:$0x1E800] =	vst v63  }
0x83: {  	_ =	swait.ge [sflag:s17], $0x4000  }
0x84: {  	[sflag:s17] =	ssyncset.done $0x0  }
0x85: {  	s30 =	simm.s32 $0x100;
	[sflag:s17] =	ssyncadd.s32 $0xFFFFC000  }
0x86: {  	[tilespmem:s16], [sflag:$0x1] =	stream.indirect.gather [hbm4b:s4+s19], $0x80, s30, s19, $0x2000b8;
	[tilespmem:$0x1E800] =	vst v63  }
0x87: {  	_ =	swait.ge [sflag:s22], $0x4000  }
0x88: {  	[sflag:s22] =	ssyncset.done $0x0  }
0x89: {  	s31 =	simm.s32 $0x1480;
	[sflag:s22] =	ssyncadd.s32 $0xFFFFC000  }
0x8a: {  	[spmem:s2] =	stream.indirect.scatter.add.f32 [tilespmem:s20], [sflag:$0x3], $0x80, s31, s19, $0x2000b8;
	[tilespmem:$0x1E800] =	vst v63  }
0x8b: {  	_ =	swait.ge [sflag:s17], $0x4000  }
0x8c: {  	[sflag:s17] =	ssyncset.done $0x0  }
0x8d: {  	s28 =	simm.s32 $0x180;
	s26 =	simm.s32 $0x400;
	[sflag:s17] =	ssyncadd.s32 $0xFFFFC000  }
.LBB2_6:
0x8e: {  	[tilespmem:s20], [sflag:$0x2] =	stream.indirect.gather [hbm4b:s4+s19], $0x80, s28, s19, $0x2000b8;
	[tilespmem:$0x1E800] =	vst v63  }
0x8f: {  	s28 =	smov.u32 s26  }
0x90: {  	p0 =	sne.s32 s26, $0x4800;
	s26 =	sadd.s32 $0x400, s26;
	_ =	swait.ge [sflag:s21], $0x4000  }
0x91: {  	s28 =	sshra.s32 s28, $0x2;
	[sflag:s21] =	ssyncset.done $0x0  }
0x92: {  	s29 =	sadd.s32 $0x1400, s28;
	[sflag:s21] =	ssyncadd.s32 $0xFFFFC000  }
0x93: {  	[spmem:s2] =	stream.indirect.scatter.add.f32 [tilespmem:s16], [sflag:$0x3], $0x80, s29, s19, $0x2000b8;
	[tilespmem:$0x1E800] =	vst v63  }
0x94: {  	_ =	swait.ge [sflag:s17], $0x4000  }
0x95: {  	[sflag:s17] =	ssyncset.done $0x0  }
0x96: {  	s29 =	sadd.s32 $0x100, s28;
	[sflag:s17] =	ssyncadd.s32 $0xFFFFC000  }
0x97: {  	[tilespmem:s16], [sflag:$0x1] =	stream.indirect.gather [hbm4b:s4+s19], $0x80, s29, s19, $0x2000b8;
	[tilespmem:$0x1E800] =	vst v63  }
0x98: {  	_ =	swait.ge [sflag:s22], $0x4000  }
0x99: {  	[sflag:s22] =	ssyncset.done $0x0  }
.Ltmp2:
0x9a: {  	s29 =	sadd.s32 $0x1480, s28;
	[sflag:s22] =	ssyncadd.s32 $0xFFFFC000;
	(pc) =	sbr.rel @p0 .LBB2_6-.Ltmp2, $4  }
0x9b: {  	[spmem:s2] =	stream.indirect.scatter.add.f32 [tilespmem:s20], [sflag:$0x3], $0x80, s29, s19, $0x2000b8;
	[tilespmem:$0x1E800] =	vst v63  }
0x9c: {  	_ =	swait.ge [sflag:s17], $0x4000  }
0x9d: {  	[sflag:s17] =	ssyncset.done $0x0  }
0x9e: {  	s28 =	sadd.s32 $0x180, s28;
	[sflag:s17] =	ssyncadd.s32 $0xFFFFC000  }
0x9f: {  	[tilespmem:s20], [sflag:$0x2] =	stream.indirect.gather [hbm4b:s4+s19], $0x80, s28, s19, $0x2000b8;
	[tilespmem:$0x1E800] =	vst v63  }
0xa0: {  	_ =	swait.ge [sflag:s21], $0x4000  }
0xa1: {  	[sflag:s21] =	ssyncset.done $0x0  }
0xa2: {  	[sflag:s21] =	ssyncadd.s32 $0xFFFFC000  }
0xa3: {  	[spmem:s2] =	stream.indirect.scatter.add.f32 [tilespmem:s16], [sflag:$0x3], $0x80, s23, s19, $0x2000b8;
	[tilespmem:$0x1E800] =	vst v63  }
0xa4: {  	_ =	swait.ge [sflag:s17], $0x4000  }
0xa5: {  	[sflag:s17] =	ssyncset.done $0x0  }
0xa6: {  	[sflag:s17] =	ssyncadd.s32 $0xFFFFC000  }
0xa7: {  	_ =	swait.ge [sflag:s22], $0x4000  }
0xa8: {  	[sflag:s22] =	ssyncset.done $0x0  }
0xa9: {  	[sflag:s22] =	ssyncadd.s32 $0xFFFFC000  }
0xaa: {  	[spmem:s2] =	stream.indirect.scatter.add.f32 [tilespmem:s20], [sflag:$0x3], $0x80, s24, s19, $0x2000b8;
	[tilespmem:$0x1E800] =	vst v63  }
0xab: {  	_ =	swait.ge [sflag:s17], $0x4000  }
0xac: {  	[sflag:s17] =	ssyncset.done $0x0  }
0xad: {  	[sflag:s17] =	ssyncadd.s32 $0xFFFFC000  }
0xae: {  	s26 =	sshll.u32 s1, $0x6;
	_ =	strace $0x90000052  }
0xaf: {  	s31 =	sshrl.u32 s5, $0x3;
	s25 =	sadd.s32 $0x1, s25;
	_ =	strace $0x80000053  }
0xb0: {  	s26 =	sor.u32 $0x1C03, s26;
	p0 =	sne.s32 s25, s15;
	[bflag:$0x0] =	sbarrier.arrive $0xFFFF  }
0xb1: {  	[hbm:s14], [sflag:s26] =	dma.local [spmem:s31], $0x2800  }
.Ltmp3:
0xb2: {  	_ = 	snop;
	(pc) =	sbr.rel @p0 .LBB2_1-.Ltmp3, $4  }
0xb3: {  	_ =	swait.ge [sflag:s17], $0x2800  }
0xb4: {  	[sflag:s17] =	ssyncset.done $0x0  }
0xb5: {  	[sflag:s17] =	ssyncadd.s32 $0xFFFFD800  }
0xb6: {  	_ =	strace $0x90000053  }
0xb7: {  	_ =	sfence.sel $0x180000  }
0xb8: {  	[bflag:$0x0] =	sbarrier.arrive $0xFFFF  }
0xb9: {  	p0 =	sne.s32 s1, $0x0;
	_ =	strace $0x9000004D  }
0xba: {  	s0 =	sadd.s32 @!p0 $0x100000, s0;
	[bflag:$0x2] =	sbarrier.arrive $0xFFFF  }
0xbb: {  	[sflag:s0] =	ssyncadd.tile.s32 @!p0 $0x1;
	_ =	shalt  }
.Lfunc_end2:
_tile_overlayer_lowered:
.L_overlay_start_2:
0xbc: {  	(tag) =	ssettag $0x2  }
0xbd: {  	s0 =	rddreg [dreg:$0x0];
	s2 =	stileid.u32  }
0xbe: {  	s1 =	rddreg [dreg:$0x1];
	p0 =	sne.s32 s2, $0x0  }
0xbf: {  	s3 =	rddreg [dreg:$0x2];
	[bflag:$0x3] =	sbarrier.arrive $0xFFFF;
	s2 =	simm.s32 @!p0 $0x1C03  }
0xc0: {  	[timem:s3], [sflag:s2] =	dma.local @!p0 [hbm:s0], s1  }
0xc1: {  	s0 =	simm.s32 @!p0 $0x3  }
0xc2: {  	_ =	swait.ge @!p0 [sflag:s0], s1  }
0xc3: {  	s1 =	ssub.s32 @!p0 $0x0, s1;
	[sflag:s0] =	ssyncset.done @!p0 $0x0  }
0xc4: {  	[sflag:s0] =	ssyncadd.s32 @!p0 s1  }
0xc5: {  	[bflag:$0x3] =	sbarrier.arrive $0xFFFF  }
0xc6: {  	_ =	shalt  }

// kernel: kernel.8.cloned.1.call-start
scs
__scs_entry_jumppad:
0x0: {  	(pc) =	sbr.rel $0x88, $3  }
0x1: {  	(tag) =	ssettag $0x0;
	lr =	simm.s32 $0x1  }
0x2: {  	[smem:$0x3F98] =	sst lr;
	_ =	strace $0xD0000000  }
0x3: {  	_ = 	snop  }
0x4: {  	_ = 	snop  }
0x5: {  	_ = 	snop  }
0x6: {  	_ = 	snop  }
0x7: {  	_ = 	snop  }
__scs_overlays_trampoline_lowered:
0x8: {  	[smem:$0x3FA7] =	sst s0  }
0x9: {  	[smem:$0x3FA8] =	sst s1  }
0xa: {  	[smem:$0x3FA9] =	sst s2  }
0xb: {  	[smem:$0x3FAA] =	sst s3  }
0xc: {  	[smem:$0x3FAB] =	sst s4  }
0xd: {  	[smem:$0x3FAC] =	sst s5  }
0xe: {  	[smem:$0x3FAD] =	sst s6  }
0xf: {  	[smem:$0x3FAE] =	sst s7  }
0x10: {  	[smem:$0x3FAF] =	sst s8  }
0x11: {  	[smem:$0x3FB0] =	sst s9;
	s0 =	simm.s32 @!p0 $0x0  }
0x12: {  	s1 =	sld [smem:$0x3F96];
	s0 =	simm.s32 @p0 $0x1  }
0x13: {  	[smem:$0x3FB1] =	sst s0;
	s0 =	simm.s32 @!p1 $0x0  }
0x14: {  	s2 =	sld [smem:$0x3F95];
	s0 =	simm.s32 @p1 $0x1  }
0x15: {  	[smem:$0x3FB2] =	sst s0;
	s0 =	simm.s32 @!p2 $0x0  }
0x16: {  	s3 =	sld [smem:$0x3FDB];
	s0 =	simm.s32 @p2 $0x1  }
0x17: {  	s4 =	simm.s32 $0x1BF5;
	[smem:$0x3FB4] =	sst s0  }
0x18: {  	s0 =	sld [smem:$0x3F97];
	_ =	swait.ge [sflag:s4], $0x0  }
0x19: {  	s7 =	sld [smem:$0x3F98]  }
0x1a: {  	s8 =	sadd.s32 $0xFFFFE003, lr  }
0x1b: {  	s9 =	sadd.s32 $0xFFFFFEF7, lr;
	s5 =	simm.s32 $0xFFFFFFFF;
	p2 =	slt.u32 s8, $0xFFFFF086  }
0x1c: {  	p1 =	slt.u32 s9, $0xF7A;
	s5 =	simm.s32 @!p2 $0x0  }
0x1d: {  	s5 =	simm.s32 @p1 $0x1;
	p0 =	seq.s32 s7, s2  }
0x1e: {  	s7 =	smul.u32 @!p0 $0xF7A, s2;
	p2 =	seq.s32 @!p0 s5, $0x0  }
0x1f: {  	s9 =	smul.u32 $0xF7A, s1;
	s8 =	simm.s32 @!p0 $0x1BF5;
	p2 =	por !p2, p0  }
0x20: {  	[sflag:s8] =	ssyncset.s32 @!p0 $0xFFFFF086;
	s6 =	sadd.s32 @!p0 s3, s7;
	s7 =	simm.s32 @!p0 $0x108  }
0x21: {  	s3 =	sadd.s32 s3, s9;
	s6 =	sadd.s32 @!p0 $0x88, s6;
	s7 =	simm.s32 @p2 $0x1082  }
0x22: {  	[simem:s7], [sflag:s8] =	dma.local @!p0 [hbm:s6], $0xF7A  }
0x23: {  	s9 =	sor.u32 $0xD0000000, s2;
	s6 =	simm.s32 $0x108;
	_ =	swait.ge @!p0 [sflag:s8], $0x0  }
0x24: {  	s3 =	sadd.s32 $0x88, s3;
	s6 =	simm.s32 @!p1 $0x1082;
	[sflag:s4] =	ssyncset.s32 $0xFFFFF086  }
0x25: {  	[simem:s6], [sflag:s4] =	dma.local [hbm:s3], $0xF7A  }
0x26: {  	[smem:$0x3F98] =	sst s1;
	(tag) =	ssettag s2;
	_ =	strace s9  }
0x27: {  	s1 =	sld [smem:$0x3FA8]  }
0x28: {  	s2 =	sld [smem:$0x3FA9]  }
0x29: {  	s4 =	sld [smem:$0x3FAB]  }
0x2a: {  	p0 =	seq.s32 s5, $0x0;
	s5 =	sld [smem:$0x3FAC]  }
0x2b: {  	s6 =	sld [smem:$0x3FAD]  }
0x2c: {  	s7 =	sld [smem:$0x3FAE]  }
0x2d: {  	s3 =	simm.s32 $0x108;
	s8 =	sld [smem:$0x3FAF]  }
0x2e: {  	s3 =	simm.s32 @!p0 $0x1082;
	s9 =	sld [smem:$0x3FB0]  }
0x2f: {  	lr =	sadd.s32 s0, s3;
	s0 =	sld [smem:$0x3FA7]  }
0x30: {  	s3 =	sld [smem:$0x3FAA]  }
0x31: {  	[smem:$0x3FB3] =	sst s10  }
0x32: {  	s10 =	sld [smem:$0x3FB1];
	_ =	sdelay $0x3  }
0x33: {  	p0 =	seq.s32 s10, $0x1;
	s10 =	sld [smem:$0x3FB3];
	_ =	sdelay $0x3  }
0x34: {  	[smem:$0x3FB3] =	sst s10  }
0x35: {  	s10 =	sld [smem:$0x3FB2];
	_ =	sdelay $0x3  }
0x36: {  	p1 =	seq.s32 s10, $0x1;
	s10 =	sld [smem:$0x3FB3];
	_ =	sdelay $0x3  }
0x37: {  	[smem:$0x3FB3] =	sst s10  }
0x38: {  	s10 =	sld [smem:$0x3FB4]  }
0x39: {  	_ = 	snop;
	(pc) =	sbr.ind lr, $3  }
0x3a: {  	_ = 	snop  }
0x3b: {  	_ = 	snop  }
0x3c: {  	p2 =	seq.s32 s10, $0x1;
	s10 =	sld [smem:$0x3FB3]  }
0x3d: {  	_ =	shalt  }
0x3e: {  	_ =	shalt  }
0x3f: {  	_ =	shalt  }
0x40: {  	_ =	shalt  }
0x41: {  	_ =	shalt  }
0x42: {  	_ =	shalt  }
0x43: {  	_ =	shalt  }
0x44: {  	_ =	shalt  }
0x45: {  	_ =	shalt  }
0x46: {  	_ =	shalt  }
0x47: {  	_ =	shalt  }
0x48: {  	_ =	shalt  }
0x49: {  	_ =	shalt  }
0x4a: {  	_ =	shalt  }
0x4b: {  	_ =	shalt  }
0x4c: {  	_ =	shalt  }
0x4d: {  	_ =	shalt  }
0x4e: {  	_ =	shalt  }
0x4f: {  	_ =	shalt  }
0x50: {  	_ =	shalt  }
0x51: {  	_ =	shalt  }
0x52: {  	_ =	shalt  }
0x53: {  	_ =	shalt  }
0x54: {  	_ =	shalt  }
0x55: {  	_ =	shalt  }
0x56: {  	_ =	shalt  }
0x57: {  	_ =	shalt  }
0x58: {  	_ =	shalt  }
0x59: {  	_ =	shalt  }
0x5a: {  	_ =	shalt  }
0x5b: {  	_ =	shalt  }
0x5c: {  	_ =	shalt  }
0x5d: {  	_ =	shalt  }
0x5e: {  	_ =	shalt  }
0x5f: {  	_ =	shalt  }
0x60: {  	_ =	shalt  }
0x61: {  	_ =	shalt  }
0x62: {  	_ =	shalt  }
0x63: {  	_ =	shalt  }
0x64: {  	_ =	shalt  }
0x65: {  	_ =	shalt  }
0x66: {  	_ =	shalt  }
0x67: {  	_ =	shalt  }
0x68: {  	_ =	shalt  }
0x69: {  	_ =	shalt  }
0x6a: {  	_ =	shalt  }
0x6b: {  	_ =	shalt  }
0x6c: {  	_ =	shalt  }
0x6d: {  	_ =	shalt  }
0x6e: {  	_ =	shalt  }
0x6f: {  	_ =	shalt  }
0x70: {  	_ =	shalt  }
0x71: {  	_ =	shalt  }
0x72: {  	_ =	shalt  }
0x73: {  	_ =	shalt  }
0x74: {  	_ =	shalt  }
0x75: {  	_ =	shalt  }
0x76: {  	_ =	shalt  }
0x77: {  	_ =	shalt  }
0x78: {  	_ =	shalt  }
0x79: {  	_ =	shalt  }
0x7a: {  	_ =	shalt  }
0x7b: {  	_ =	shalt  }
0x7c: {  	_ =	shalt  }
0x7d: {  	_ =	shalt  }
0x7e: {  	_ =	shalt  }
0x7f: {  	_ =	shalt  }
0x80: {  	_ =	shalt  }
0x81: {  	_ =	shalt  }
0x82: {  	_ =	shalt  }
0x83: {  	_ =	shalt  }
0x84: {  	_ =	shalt  }
0x85: {  	_ =	shalt  }
0x86: {  	_ =	shalt  }
0x87: {  	_ =	shalt  }
.Lfunc_end0:
.L_simem_size_0:
called_computation_lowered:
.L_overlay_start_0:
0x88: {  	s2 =	sld [smem:$0x3FD9]  }
0x89: {  	s3 =	sld [smem:$0x3FFE];
	_ =	sdelay $0x1  }
0x8a: {  	s1 =	srdreg.scid  }
0x8b: {  	s0 =	sand.u32 $0x1, s1  }
0x8c: {  	s16 =	sshll.u32 s0, $0xA;
	s2 =	sadd.s32 s3, s2  }
0x8d: {  	s2 =	sadd.s32 s2, s16  }
0x8e: {  	[smem:$0x3FBF] =	sst s2  }
0x8f: {  	_ = 	snop  }
0x90: {  	(tm) =	ssettm $0x1  }
0x91: {  	s17 =	sld [smem:$0x3FFB];
	_ =	sdelay $0x3  }
0x92: {  	_ =	strace s17  }
0x93: {  	s2 =	sld [smem:$0x3FFC];
	_ =	sdelay $0x3  }
0x94: {  	_ =	strace s2  }
0x95: {  	s2 =	sld [smem:$0x3FFD];
	_ =	sdelay $0x3  }
0x96: {  	_ =	strace s2  }
0x97: {  	_ =	strace $0x8FFFFFFF  }
0x98: {  	s18 =	sld [smem:$0x3FDB];
	_ =	sdelay $0x1  }
0x99: {  	s19 =	simm.s32 $_scs_section_size  }
0x9a: {  	s4 =	simm.s32 $_size__tile_overlayer_lowered;
	s5 =	simm.s32 $_tile_overlayer_lowered  }
0x9b: {  	s22 =	simm.s32 $0x1BFF;
	s21 =	sshll.u32 s5, $0x1;
	s2 =	sadd.s32 s19, s18  }
0x9c: {  	s6 =	simm.s32 $0x0;
	s20 =	sshll.u32 s4, $0x1;
	s4 =	sadd.s32 s21, s2  }
0x9d: {  	[timem:s6], [sflag:s22] =	dma.local [hbm:s4], s20  }
0x9e: {  	_ =	swait.ge [sflag:s22], s20  }
0x9f: {  	s3 =	ssub.s32 $0x0, s20;
	[sflag:s22] =	ssyncset.done $0x0  }
0xa0: {  	[sflag:s22] =	ssyncadd.s32 s3;
	_ =	sdelay $0x1  }
0xa1: {  	s23 =	simm.s32 $0x1B8B  }
0xa2: {  	_ =	swait.ge [sflag:s23], $0x1  }
0xa3: {  	[sflag:s23] =	ssyncset.done $0x0  }
0xa4: {  	s25 =	simm.s32 $0x1B8E;
	s24 =	sld [smem:$0x3FFE];
	[sflag:s23] =	ssyncadd.s32 $0xFFFFFFFF  }
0xa5: {  	s26 =	simm.s32 $execute0_lowered;
	[smem:$0x3FD2] =	sst s25  }
0xa6: {  	s4 =	sshll.u32 s26, $0x1;
	_ =	strace $0x80000046;
	[dreg:$0x1] =	wrdreg $0xFFFFFFFF  }
0xa7: {  	s28 =	simm.s32 $_size_execute0_lowered;
	s2 =	sadd.s32 s2, s4;
	[dreg:$0x0] =	wrdreg $0x0  }
0xa8: {  	s4 =	sshll.u32 s28, $0x1;
	[dreg:$0x2] =	wrdreg s2  }
0xa9: {  	[dreg:$0x3] =	wrdreg s4  }
0xaa: {  	[dreg:$0x4] =	wrdreg $0xC0  }
0xab: {  	_ =	task [dreg:s6], $0x5FFFF  }
0xac: {  	[dreg:$0x1] =	wrdreg $0xFFFFFFFF  }
0xad: {  	[dreg:$0x0] =	wrdreg $0x60  }
0xae: {  	[dreg:$0x2] =	wrdreg s24  }
0xaf: {  	[dreg:$0x3] =	wrdreg $0x2B000  }
0xb0: {  	[dreg:$0x4] =	wrdreg $0x9  }
0xb1: {  	_ =	task.clear_ibuf [dreg:s6], $0x5FFFF;
	_ =	strace $0x90000046  }
0xb2: {  	s29 =	simm.s32 $0x9;
	_ =	strace $0x80000048  }
0xb3: {  	_ =	swait.ge [sflag:s29], $0x1  }
0xb4: {  	[sflag:s29] =	ssyncadd.s32 $0xFFFFFFFF  }
0xb5: {  	_ =	strace $0x90000048  }
0xb6: {  	_ =	sfence  }
0xb7: {  	s30 =	sld [smem:$0x0];
	_ =	sdelay $0x2  }
0xb8: {  	s31 =	sshll.u32 s1, $0xD;
	s1 =	sshrl.u32 s1, $0x2  }
0xb9: {  	s3 =	sand.u32 $0x4000, s31;
	s1 =	sadd.s32 s1, s30  }
0xba: {  	s0 =	sor.u32 s3, s0;
	s1 =	sshll.u32 s1, $0x11  }
0xbb: {  	s0 =	sor.u32 s1, s0  }
0xbc: {  	s0 =	sadd.s32 $0x8F2B, s0  }
0xbd: {  	[sflag:s0] =	ssyncadd.remote.s32 $0x1  }
0xbe: {  	_ =	sfence.sel $0xFFFF  }
0xbf: {  	[dreg:$0x0] =	wrdreg $0xFFFFFFFF;
	(pc) =	sbr.abs _section_cstart, $3  }
0xc0: {  	[dreg:$0x1] =	wrdreg $0xFFFFFFFF  }
0xc1: {  	_ =	task.clear_ibuf [dreg:s6], $0x2FFFF;
	_ =	strace $0x9FFFFFFF  }
0xc2: {  	(tm) =	ssettm $0x7FFFFFFF  }
0xc3: {  	_ =	shalt  }
tec
execute0_lowered:
.L_overlay_start_1:
0x0: {  	(tag) =	ssettag $0x1  }
0x1: {  	s4 =	rddreg [dreg:$0x0]  }
0x2: {  	s2 =	rddreg [dreg:$0x1]  }
0x3: {  	s3 =	srdreg.scid;
	s1 =	stileid.u32  }
0x4: {  	s0 =	rddreg [dreg:$0x2];
	s10 =	simm.s32 $0x80;
	s11 =	simm.s32 $0x2800  }
0x5: {  	s14 =	simm.s32 $0x20;
	s15 =	simm.s32 $0x10;
	s16 =	simm.s32 $0x0  }
0x6: {  	s5 =	sand.u32 $0x1, s3;
	s6 =	sshll.u32 s1, $0x1;
	s7 =	smul.u32 $0x500, s1  }
0x7: {  	s3 =	simm.s32 $0x0;
	s30 =	smul.u32 $0xA00, s1;
	s12 =	sshll.u32 s1, $0x6  }
0x8: {  	s6 =	sor.u32 s5, s6;
	[smem:$0x7FF] =	sst s3;
	s8 =	sshll.u32 s5, $0x7  }
0x9: {  	s5 =	ssub.s32 $0x2, s5;
	s12 =	sor.u32 $0x1C01, s12;
	s6 =	smul.u32 $0x500, s6  }
0xa: {  	_ =	strace $0x80000047;
	s7 =	sor.u32 s8, s7;
	s31 =	sshrl.u32 s5, $0x1  }
0xb: {  	s8 =	sshrl.u32 s30, $0x2;
	s7 =	sshrl.u32 s7, $0x3;
	s9 =	ssub.s32 s5, s31  }
0xc: {  	s5 =	sadd.s32 s8, s2;
	s8 =	simm.s32 $0x1;
	s6 =	sadd.s32 s6, s4  }
0xd: {  	s7 =	sadd.s32 s7, s4;
	s13 =	sshrl.u32 s5, $0x3;
	s4 =	sadd.s32 $0x2800, s6  }
0xe: {  	v0 =	vimm.f32 $1.000000000e+00;
	v1 =	vimm.f32 $0.0e+00;
	s6 =	sadd.s32 $0x16800, s7;
	s7 =	smax.u32 s9, $0x1;
	s9 =	simm.s32 $0x2880  }
.LBB2_1:
0xf: {  	[tilespmem:s3], [sflag:$0x1] =	stream.linear.gather [hbm4b:s4+s3], $0x2800, $0x38;
	[tilespmem:$0x2D80] =	vst v63  }
0x10: {  	_ =	swait.ge [sflag:s8], $0x2800  }
0x11: {  	[sflag:s8] =	ssyncset.done $0x0  }
0x12: {  	[sflag:s8] =	ssyncadd.s32 $0xFFFFD800  }
0x13: {  	[tilespmem:$0x2800] =	vst v0  }
0x14: {  	[tilespmem:$0x2810] =	vst v0  }
0x15: {  	[tilespmem:$0x2820] =	vst v0  }
0x16: {  	[tilespmem:$0x2830] =	vst v0  }
0x17: {  	[tilespmem:$0x2840] =	vst v0  }
0x18: {  	[tilespmem:$0x2850] =	vst v0  }
0x19: {  	[tilespmem:$0x2860] =	vst v0  }
0x1a: {  	[tilespmem:$0x2870] =	vst v0  }
0x1b: {  	[tilespmem:$0x2880] =	vst v1  }
0x1c: {  	[tilespmem:$0x2890] =	vst v1  }
0x1d: {  	[tilespmem:$0x28A0] =	vst v1  }
0x1e: {  	[tilespmem:$0x28B0] =	vst v1  }
0x1f: {  	[tilespmem:$0x28C0] =	vst v1  }
0x20: {  	[tilespmem:$0x28D0] =	vst v1  }
0x21: {  	[tilespmem:$0x28E0] =	vst v1  }
0x22: {  	[tilespmem:$0x28F0] =	vst v1  }
0x23: {  	[tilespmem:$0x2900] =	vst v1  }
0x24: {  	[tilespmem:$0x2910] =	vst v1  }
0x25: {  	[tilespmem:$0x2920] =	vst v1  }
0x26: {  	[tilespmem:$0x2930] =	vst v1  }
0x27: {  	[tilespmem:$0x2940] =	vst v1  }
0x28: {  	[tilespmem:$0x2950] =	vst v1  }
0x29: {  	[tilespmem:$0x2960] =	vst v1  }
0x2a: {  	[tilespmem:$0x2970] =	vst v1  }
0x2b: {  	[tilespmem:$0x2980] =	vst v1  }
0x2c: {  	[tilespmem:$0x2990] =	vst v1  }
0x2d: {  	[tilespmem:$0x29A0] =	vst v1  }
0x2e: {  	[tilespmem:$0x29B0] =	vst v1  }
0x2f: {  	[tilespmem:$0x29C0] =	vst v1  }
0x30: {  	[tilespmem:$0x29D0] =	vst v1  }
0x31: {  	[tilespmem:$0x29E0] =	vst v1  }
0x32: {  	[tilespmem:$0x29F0] =	vst v1  }
0x33: {  	[tilespmem:$0x2A00] =	vst v1  }
0x34: {  	[tilespmem:$0x2A10] =	vst v1  }
0x35: {  	[tilespmem:$0x2A20] =	vst v1  }
0x36: {  	[tilespmem:$0x2A30] =	vst v1  }
0x37: {  	[tilespmem:$0x2A40] =	vst v1  }
0x38: {  	[tilespmem:$0x2A50] =	vst v1  }
0x39: {  	[tilespmem:$0x2A60] =	vst v1  }
0x3a: {  	[tilespmem:$0x2A70] =	vst v1  }
0x3b: {  	[tilespmem:$0x2A80] =	vst v1  }
0x3c: {  	[tilespmem:$0x2A90] =	vst v1  }
0x3d: {  	[tilespmem:$0x2AA0] =	vst v1  }
0x3e: {  	[tilespmem:$0x2AB0] =	vst v1  }
0x3f: {  	[tilespmem:$0x2AC0] =	vst v1  }
0x40: {  	[tilespmem:$0x2AD0] =	vst v1  }
0x41: {  	[tilespmem:$0x2AE0] =	vst v1  }
0x42: {  	[tilespmem:$0x2AF0] =	vst v1  }
0x43: {  	[spmem:s5] =	stream.linear.scatter [tilespmem:s9], [sflag:$0x1], $0x280, $0x38;
	[tilespmem:$0x2D80] =	vst v63  }
0x44: {  	_ =	swait.ge [sflag:s8], $0x280  }
0x45: {  	[sflag:s8] =	ssyncset.done $0x0  }
0x46: {  	[sflag:s8] =	ssyncadd.s32 $0xFFFFFD80  }
0x47: {  	s17 =	simm.s32 $0x0;
	[bflag:$0x0] =	sbarrier.arrive $0xFFFF  }
0x48: {  	[spmem:s2] =	stream.indirect.scatter.add.f32 [tilespmem:s11], [sflag:$0x1], $0x1, s17, s10, $0xb8;
	[tilespmem:$0x2D80] =	vst v63  }
0x49: {  	_ =	swait.ge [sflag:s8], $0x80  }
0x4a: {  	s17 =	simm.s32 $0x200;
	[sflag:s8] =	ssyncset.done $0x0  }
.LBB2_2:
0x4b: {  	s18 =	sshra.s32 s17, $0x2;
	[sflag:s8] =	ssyncadd.s32 $0xFFFFFF80;
	p0 =	sne.s32 s17, $0x9E00  }
0x4c: {  	[spmem:s2] =	stream.indirect.scatter.add.f32 [tilespmem:s11], [sflag:$0x1], $0x1, s18, s10, $0xb8;
	[tilespmem:$0x2D80] =	vst v63  }
.Ltmp0:
0x4d: {  	_ = 	snop;
	(pc) =	sbr.rel @p0 .LBB2_2-.Ltmp0, $4  }
0x4e: {  	_ = 	snop  }
0x4f: {  	s17 =	sadd.s32 $0x200, s17  }
0x50: {  	_ =	swait.ge [sflag:s8], $0x80  }
0x51: {  	[sflag:s8] =	ssyncset.done $0x0  }
0x52: {  	s16 =	sadd.s32 $0x1, s16  }
0x53: {  	[sflag:s8] =	ssyncadd.s32 $0xFFFFFF80;
	p0 =	sne.s32 s16, s7  }
.Ltmp1:
0x54: {  	[bflag:$0x0] =	sbarrier.arrive $0xFFFF;
	(pc) =	sbr.rel @p0 .LBB2_1-.Ltmp1, $4  }
0x55: {  	[hbm:s6@s14], [sflag:s12] =	dma.strided [spmem:s13@s15], $0x50, s8, $0x10   }
0x56: {  	_ =	swait.ge [sflag:s8], $0x50  }
0x57: {  	[sflag:s8] =	ssyncset.done $0x0  }
0x58: {  	[sflag:s8] =	ssyncadd.s32 $0xFFFFFFB0  }
0x59: {  	_ =	sfence.sel $0x180000  }
0x5a: {  	[bflag:$0x0] =	sbarrier.arrive $0xFFFF  }
0x5b: {  	p0 =	sne.s32 s1, $0x0;
	_ =	strace $0x90000047  }
0x5c: {  	s0 =	sadd.s32 @!p0 $0x100000, s0;
	[bflag:$0x2] =	sbarrier.arrive $0xFFFF  }
0x5d: {  	[sflag:s0] =	ssyncadd.tile.s32 @!p0 $0x1;
	_ =	shalt  }
.Lfunc_end2:
_tile_overlayer_lowered:
.L_overlay_start_2:
0x5e: {  	(tag) =	ssettag $0x2  }
0x5f: {  	s0 =	rddreg [dreg:$0x0];
	s2 =	stileid.u32  }
0x60: {  	s1 =	rddreg [dreg:$0x1];
	p0 =	sne.s32 s2, $0x0  }
0x61: {  	s3 =	rddreg [dreg:$0x2];
	[bflag:$0x3] =	sbarrier.arrive $0xFFFF;
	s2 =	simm.s32 @!p0 $0x1C01  }
0x62: {  	[timem:s3], [sflag:s2] =	dma.local @!p0 [hbm:s0], s1  }
0x63: {  	s0 =	simm.s32 @!p0 $0x1  }
0x64: {  	_ =	swait.ge @!p0 [sflag:s0], s1  }
0x65: {  	s1 =	ssub.s32 @!p0 $0x0, s1;
	[sflag:s0] =	ssyncset.done @!p0 $0x0  }
0x66: {  	[sflag:s0] =	ssyncadd.s32 @!p0 s1  }
0x67: {  	[bflag:$0x3] =	sbarrier.arrive $0xFFFF  }
0x68: {  	_ =	shalt  }

</sc_bundles>
